<compile_context>
chip_gen: v7x
topology: tpu7x:2x2x1
jax: 0.10.2.dev20260603
libtpu: 0.0.44.dev20260713+nightly
codegen_flags: <defaults>
</compile_context>

<pallas_src>
import functools

import jax
import jax.numpy as jnp
from jax import lax
from jax.experimental import pallas as pl
from jax.experimental.pallas import tpu as pltpu
from jax.experimental.pallas import tpu_sc as plsc

B, S = 16384, 200
TAB = 1000000
NC, NS = 2, 16
NW = NC * NS
COLS_W = B // NW
JB, IB = 40, 128
NJ = S // JB
NI = COLS_W // IB
NCHUNKS = NJ * NI
PIECE = 8000
PIECES = TAB // PIECE

_mesh = plsc.VectorSubcoreMesh(core_axis_name="c", subcore_axis_name="s")


@functools.partial(
    pl.kernel,
    mesh=_mesh,
    out_type=jax.ShapeDtypeStruct((S, B), jnp.float32),
    scratch_types=[
        pltpu.VMEM_SHARED((TAB,), jnp.float32),
        pltpu.VMEM((PIECE,), jnp.float32),
        pltpu.VMEM((JB, IB), jnp.int32),
        pltpu.VMEM((JB, IB), jnp.int32),
        pltpu.VMEM((JB, IB), jnp.float32),
        pltpu.VMEM((JB, IB), jnp.float32),
        pltpu.SemaphoreType.DMA,
        pltpu.SemaphoreType.DMA,
        pltpu.SemaphoreType.DMA,
        pltpu.SemaphoreType.DMA,
        pltpu.SemaphoreType.DMA,
        pltpu.SemaphoreType.DMA,
    ],
)
def _gather_sc(idx_hbm, u_hbm, out_hbm, u_sp, bounce,
               ti0, ti1, to0, to1, sin0, sin1, sg0, sg1, sout0, sout1):
    sid = lax.axis_index("s")
    wid = sid * NC + lax.axis_index("c")
    tmp_i, tmp_o = (ti0, ti1), (to0, to1)
    sin, sg, sout = (sin0, sin1), (sg0, sg1), (sout0, sout1)
    c00 = wid * COLS_W

    def chunk_slice(k):
        j0 = (k % NJ) * JB
        i0 = c00 + (k // NJ) * IB
        return (pl.ds(j0, JB), pl.ds(i0, IB))

    def in_cp(k, b):
        return pltpu.make_async_copy(idx_hbm.at[chunk_slice(k)], tmp_i[b],
                                     sin[b])

    def out_cp(k, b):
        return pltpu.make_async_copy(tmp_o[b], out_hbm.at[chunk_slice(k)],
                                     sout[b])

    def fire_gathers(b):
        @pl.loop(0, JB)
        def _issue(r):
            pltpu.async_copy(u_sp.at[tmp_i[b].at[r]], tmp_o[b].at[r], sg[b])

    def drain_gathers(b):
        @pl.loop(0, JB)
        def _drain(r):
            pltpu.make_async_copy(u_sp.at[tmp_i[b].at[r]], tmp_o[b].at[r],
                                  sg[b]).wait()

    in_cp(0, 0).start()

    for j in range((PIECES + NS - 1) // NS):
        piece = sid + NS * j

        @pl.when(piece < PIECES)
        def _stage():
            off = piece * PIECE
            pltpu.sync_copy(u_hbm.at[pl.ds(off, PIECE)], bounce)
            pltpu.sync_copy(bounce, u_sp.at[pl.ds(off, PIECE)])

    plsc.subcore_barrier()

    @pl.loop(0, NCHUNKS // 2)
    def _pair(j):
        for half in (0, 1):
            k = 2 * j + half
            b = half
            in_cp(k, b).wait()

            @pl.when(k >= 2)
            def _drain_out_b():
                out_cp(k - 2, b).wait()

            fire_gathers(b)

            @pl.when(k + 1 < NCHUNKS)
            def _prefetch():
                in_cp(k + 1, 1 - b).start()

            @pl.when(k >= 1)
            def _phase2():
                bb = 1 - b
                drain_gathers(bb)
                out_cp(k - 1, bb).start()

    drain_gathers(1)
    out_cp(NCHUNKS - 1, 1).start()
    out_cp(NCHUNKS - 2, 0).wait()
    out_cp(NCHUNKS - 1, 1).wait()


def kernel(idx, u):
    return _gather_sc(idx.T, u).T

# --- scband reference (transcript-rebuilt; emitter-appended) ---
"""Pipeline reference for scband-discrete-potential-3040836845701 (READ-ONLY COPY).

The authoritative reference and input builder live on the scoring server;
editing this copy changes nothing except your own understanding.
"""

import jax, jax.numpy as jnp
import numpy as np

LENGTH = 1000000

def setup_inputs(seed: int = 0) -> dict:
    key = jax.random.key(seed)
    k_idx, = jax.random.split(key, 1)
    idx = jax.random.randint(k_idx, (16384, 200), 0, LENGTH, dtype=jnp.int64 if jax.config.jax_enable_x64 else jnp.int32)
    u = jnp.zeros((LENGTH,), dtype=jnp.float32) + 5.0
    return {"idx": idx, "u": u}

def reference(idx, u):
    # DiscretePotential.forward: gather from 1-D learned parameter u
    return jnp.take(u, idx, axis=0)

if __name__ == "__main__":
    import jax
    _d = setup_inputs()
    print(jax.jit(kernel)(*tuple(_d.values())))

</pallas_src>

<mosaic_0001>
#map = affine_map<(d0, d1) -> (0, 0)>
#map1 = affine_map<(d0, d1) -> (0)>
module attributes {stable_mosaic.version = 14 : i64} {
  func.func @_gather_sc(%arg0: i32, %arg1: i32, %arg2: memref<200x16384xi32, #tpu.memory_space<hbm>>, %arg3: memref<1000000xf32, #tpu.memory_space<hbm>>, %arg4: memref<200x16384xf32, #tpu.memory_space<hbm>>, %arg5: memref<1000000xf32, #tpu.memory_space<vmem_shared>>, %arg6: memref<8000xf32, #tpu.memory_space<vmem>>, %arg7: memref<40x128xi32, #tpu.memory_space<vmem>>, %arg8: memref<40x128xi32, #tpu.memory_space<vmem>>, %arg9: memref<40x128xf32, #tpu.memory_space<vmem>>, %arg10: memref<40x128xf32, #tpu.memory_space<vmem>>, %arg11: memref<!tpu.dma_semaphore, #tpu.memory_space<semaphore_mem>>, %arg12: memref<!tpu.dma_semaphore, #tpu.memory_space<semaphore_mem>>, %arg13: memref<!tpu.dma_semaphore, #tpu.memory_space<semaphore_mem>>, %arg14: memref<!tpu.dma_semaphore, #tpu.memory_space<semaphore_mem>>, %arg15: memref<!tpu.dma_semaphore, #tpu.memory_space<semaphore_mem>>, %arg16: memref<!tpu.dma_semaphore, #tpu.memory_space<semaphore_mem>>) attributes {dimension_semantics = [#tpu.dimension_semantics<core_parallel>, #tpu.dimension_semantics<subcore_parallel>], iteration_bounds = array<i64: 2, 16>, scalar_prefetch = 0 : i64, scratch_operands = 12 : i64, tpu.core_type = #tpu.core_type<sc_vector_subcore>, window_params = [{transform_indices = #map}, {transform_indices = #map1}, {transform_indices = #map}]} {
    %mul3A = arith.constant 2 : i32
    %mul3A_0 = arith.muli %arg1, %mul3A : i32
    %add3A = arith.addi %mul3A_0, %arg0 : i32
    %mul3A_1 = arith.constant 512 : i32
    %mul3A_2 = arith.muli %add3A, %mul3A_1 : i32
    %add3A_3 = arith.constant 0 : i32
    %add3A_4 = arith.addi %mul3A_2, %add3A_3 : i32
    %dma_start3A = arith.constant 0 : i32
    %dma_start3A_5 = tpu.memref_slice %arg2[%dma_start3A, %add3A_4] : memref<200x16384xi32, #tpu.memory_space<hbm>> -> memref<40x128xi32, #tpu.memory_space<hbm>>
    %dma_start3A_6 = arith.constant 0 : i32
    %dma_start3A_7 = tpu.memref_slice %arg2[%dma_start3A_6, %add3A_4] : memref<200x16384xi32, #tpu.memory_space<hbm>> -> memref<40x128xi32, #tpu.memory_space<hbm>>
    tpu.enqueue_dma source(%dma_start3A_7 : memref<40x128xi32, #tpu.memory_space<hbm>>) target(%arg7 : memref<40x128xi32, #tpu.memory_space<vmem>>) target_semaphore(%arg11 : memref<!tpu.dma_semaphore, #tpu.memory_space<semaphore_mem>>)
    %add3A_8 = arith.constant 0 : i32
    %add3A_9 = arith.addi %arg1, %add3A_8 : i32
    %lt3A = arith.constant 125 : i32
    %lt3A_10 = arith.cmpi slt, %add3A_9, %lt3A : i32
    %convert_element_type3A = arith.extui %lt3A_10 : i1 to i32
    %cond3A = arith.constant 0 : i32
    %cond3A_11 = arith.cmpi ne, %convert_element_type3A, %cond3A : i32
    scf.if %cond3A_11 {
      %mul3A_87 = arith.constant 8000 : i32
      %mul3A_88 = arith.muli %add3A_9, %mul3A_87 : i32
      "tpu.region"() ({
        %run_scoped3A = tpu.sem_alloc : memref<!tpu.dma_semaphore, #tpu.memory_space<semaphore_mem>>
        %dma_start3A_89 = tpu.memref_slice %arg3[%mul3A_88] : memref<1000000xf32, #tpu.memory_space<hbm>> -> memref<8000xf32, #tpu.memory_space<hbm>>
        %dma_start3A_90 = tpu.memref_slice %arg3[%mul3A_88] : memref<1000000xf32, #tpu.memory_space<hbm>> -> memref<8000xf32, #tpu.memory_space<hbm>>
        tpu.enqueue_dma source(%dma_start3A_90 : memref<8000xf32, #tpu.memory_space<hbm>>) target(%arg6 : memref<8000xf32, #tpu.memory_space<vmem>>) target_semaphore(%run_scoped3A : memref<!tpu.dma_semaphore, #tpu.memory_space<semaphore_mem>>)
        %dma_wait3A_91 = tpu.memref_slice %arg3[%mul3A_88] : memref<1000000xf32, #tpu.memory_space<hbm>> -> memref<8000xf32, #tpu.memory_space<hbm>>
        %dma_wait3A_92 = tpu.memref_slice %arg3[%mul3A_88] : memref<1000000xf32, #tpu.memory_space<hbm>> -> memref<8000xf32, #tpu.memory_space<hbm>>
        tpu.wait_dma2 semaphore(%run_scoped3A : memref<!tpu.dma_semaphore, #tpu.memory_space<semaphore_mem>>) src(%dma_wait3A_92 : memref<8000xf32, #tpu.memory_space<hbm>>) dst(%arg6 : memref<8000xf32, #tpu.memory_space<vmem>>)
        tpu.yield
      }) : () -> ()
      "tpu.region"() ({
        %run_scoped3A = tpu.sem_alloc : memref<!tpu.dma_semaphore, #tpu.memory_space<semaphore_mem>>
        %dma_start3A_89 = tpu.memref_slice %arg5[%mul3A_88] : memref<1000000xf32, #tpu.memory_space<vmem_shared>> -> memref<8000xf32, #tpu.memory_space<vmem_shared>>
        %dma_start3A_90 = tpu.memref_slice %arg5[%mul3A_88] : memref<1000000xf32, #tpu.memory_space<vmem_shared>> -> memref<8000xf32, #tpu.memory_space<vmem_shared>>
        tpu.enqueue_dma source(%arg6 : memref<8000xf32, #tpu.memory_space<vmem>>) target(%dma_start3A_90 : memref<8000xf32, #tpu.memory_space<vmem_shared>>) target_semaphore(%run_scoped3A : memref<!tpu.dma_semaphore, #tpu.memory_space<semaphore_mem>>)
        %dma_wait3A_91 = tpu.memref_slice %arg5[%mul3A_88] : memref<1000000xf32, #tpu.memory_space<vmem_shared>> -> memref<8000xf32, #tpu.memory_space<vmem_shared>>
        %dma_wait3A_92 = tpu.memref_slice %arg5[%mul3A_88] : memref<1000000xf32, #tpu.memory_space<vmem_shared>> -> memref<8000xf32, #tpu.memory_space<vmem_shared>>
        tpu.wait_dma2 semaphore(%run_scoped3A : memref<!tpu.dma_semaphore, #tpu.memory_space<semaphore_mem>>) src(%arg6 : memref<8000xf32, #tpu.memory_space<vmem>>) dst(%dma_wait3A_92 : memref<8000xf32, #tpu.memory_space<vmem_shared>>)
        tpu.yield
      }) : () -> ()
    } else {
    }
    %add3A_12 = arith.constant 16 : i32
    %add3A_13 = arith.addi %arg1, %add3A_12 : i32
    %lt3A_14 = arith.constant 125 : i32
    %lt3A_15 = arith.cmpi slt, %add3A_13, %lt3A_14 : i32
    %convert_element_type3A_16 = arith.extui %lt3A_15 : i1 to i32
    %cond3A_17 = arith.constant 0 : i32
    %cond3A_18 = arith.cmpi ne, %convert_element_type3A_16, %cond3A_17 : i32
    scf.if %cond3A_18 {
      %mul3A_87 = arith.constant 8000 : i32
      %mul3A_88 = arith.muli %add3A_13, %mul3A_87 : i32
      "tpu.region"() ({
        %run_scoped3A = tpu.sem_alloc : memref<!tpu.dma_semaphore, #tpu.memory_space<semaphore_mem>>
        %dma_start3A_89 = tpu.memref_slice %arg3[%mul3A_88] : memref<1000000xf32, #tpu.memory_space<hbm>> -> memref<8000xf32, #tpu.memory_space<hbm>>
        %dma_start3A_90 = tpu.memref_slice %arg3[%mul3A_88] : memref<1000000xf32, #tpu.memory_space<hbm>> -> memref<8000xf32, #tpu.memory_space<hbm>>
        tpu.enqueue_dma source(%dma_start3A_90 : memref<8000xf32, #tpu.memory_space<hbm>>) target(%arg6 : memref<8000xf32, #tpu.memory_space<vmem>>) target_semaphore(%run_scoped3A : memref<!tpu.dma_semaphore, #tpu.memory_space<semaphore_mem>>)
        %dma_wait3A_91 = tpu.memref_slice %arg3[%mul3A_88] : memref<1000000xf32, #tpu.memory_space<hbm>> -> memref<8000xf32, #tpu.memory_space<hbm>>
        %dma_wait3A_92 = tpu.memref_slice %arg3[%mul3A_88] : memref<1000000xf32, #tpu.memory_space<hbm>> -> memref<8000xf32, #tpu.memory_space<hbm>>
        tpu.wait_dma2 semaphore(%run_scoped3A : memref<!tpu.dma_semaphore, #tpu.memory_space<semaphore_mem>>) src(%dma_wait3A_92 : memref<8000xf32, #tpu.memory_space<hbm>>) dst(%arg6 : memref<8000xf32, #tpu.memory_space<vmem>>)
        tpu.yield
      }) : () -> ()
      "tpu.region"() ({
        %run_scoped3A = tpu.sem_alloc : memref<!tpu.dma_semaphore, #tpu.memory_space<semaphore_mem>>
        %dma_start3A_89 = tpu.memref_slice %arg5[%mul3A_88] : memref<1000000xf32, #tpu.memory_space<vmem_shared>> -> memref<8000xf32, #tpu.memory_space<vmem_shared>>
        %dma_start3A_90 = tpu.memref_slice %arg5[%mul3A_88] : memref<1000000xf32, #tpu.memory_space<vmem_shared>> -> memref<8000xf32, #tpu.memory_space<vmem_shared>>
        tpu.enqueue_dma source(%arg6 : memref<8000xf32, #tpu.memory_space<vmem>>) target(%dma_start3A_90 : memref<8000xf32, #tpu.memory_space<vmem_shared>>) target_semaphore(%run_scoped3A : memref<!tpu.dma_semaphore, #tpu.memory_space<semaphore_mem>>)
        %dma_wait3A_91 = tpu.memref_slice %arg5[%mul3A_88] : memref<1000000xf32, #tpu.memory_space<vmem_shared>> -> memref<8000xf32, #tpu.memory_space<vmem_shared>>
        %dma_wait3A_92 = tpu.memref_slice %arg5[%mul3A_88] : memref<1000000xf32, #tpu.memory_space<vmem_shared>> -> memref<8000xf32, #tpu.memory_space<vmem_shared>>
        tpu.wait_dma2 semaphore(%run_scoped3A : memref<!tpu.dma_semaphore, #tpu.memory_space<semaphore_mem>>) src(%arg6 : memref<8000xf32, #tpu.memory_space<vmem>>) dst(%dma_wait3A_92 : memref<8000xf32, #tpu.memory_space<vmem_shared>>)
        tpu.yield
      }) : () -> ()
    } else {
    }
    %add3A_19 = arith.constant 32 : i32
    %add3A_20 = arith.addi %arg1, %add3A_19 : i32
    %lt3A_21 = arith.constant 125 : i32
    %lt3A_22 = arith.cmpi slt, %add3A_20, %lt3A_21 : i32
    %convert_element_type3A_23 = arith.extui %lt3A_22 : i1 to i32
    %cond3A_24 = arith.constant 0 : i32
    %cond3A_25 = arith.cmpi ne, %convert_element_type3A_23, %cond3A_24 : i32
    scf.if %cond3A_25 {
      %mul3A_87 = arith.constant 8000 : i32
      %mul3A_88 = arith.muli %add3A_20, %mul3A_87 : i32
      "tpu.region"() ({
        %run_scoped3A = tpu.sem_alloc : memref<!tpu.dma_semaphore, #tpu.memory_space<semaphore_mem>>
        %dma_start3A_89 = tpu.memref_slice %arg3[%mul3A_88] : memref<1000000xf32, #tpu.memory_space<hbm>> -> memref<8000xf32, #tpu.memory_space<hbm>>
        %dma_start3A_90 = tpu.memref_slice %arg3[%mul3A_88] : memref<1000000xf32, #tpu.memory_space<hbm>> -> memref<8000xf32, #tpu.memory_space<hbm>>
        tpu.enqueue_dma source(%dma_start3A_90 : memref<8000xf32, #tpu.memory_space<hbm>>) target(%arg6 : memref<8000xf32, #tpu.memory_space<vmem>>) target_semaphore(%run_scoped3A : memref<!tpu.dma_semaphore, #tpu.memory_space<semaphore_mem>>)
        %dma_wait3A_91 = tpu.memref_slice %arg3[%mul3A_88] : memref<1000000xf32, #tpu.memory_space<hbm>> -> memref<8000xf32, #tpu.memory_space<hbm>>
        %dma_wait3A_92 = tpu.memref_slice %arg3[%mul3A_88] : memref<1000000xf32, #tpu.memory_space<hbm>> -> memref<8000xf32, #tpu.memory_space<hbm>>
        tpu.wait_dma2 semaphore(%run_scoped3A : memref<!tpu.dma_semaphore, #tpu.memory_space<semaphore_mem>>) src(%dma_wait3A_92 : memref<8000xf32, #tpu.memory_space<hbm>>) dst(%arg6 : memref<8000xf32, #tpu.memory_space<vmem>>)
        tpu.yield
      }) : () -> ()
      "tpu.region"() ({
        %run_scoped3A = tpu.sem_alloc : memref<!tpu.dma_semaphore, #tpu.memory_space<semaphore_mem>>
        %dma_start3A_89 = tpu.memref_slice %arg5[%mul3A_88] : memref<1000000xf32, #tpu.memory_space<vmem_shared>> -> memref<8000xf32, #tpu.memory_space<vmem_shared>>
        %dma_start3A_90 = tpu.memref_slice %arg5[%mul3A_88] : memref<1000000xf32, #tpu.memory_space<vmem_shared>> -> memref<8000xf32, #tpu.memory_space<vmem_shared>>
        tpu.enqueue_dma source(%arg6 : memref<8000xf32, #tpu.memory_space<vmem>>) target(%dma_start3A_90 : memref<8000xf32, #tpu.memory_space<vmem_shared>>) target_semaphore(%run_scoped3A : memref<!tpu.dma_semaphore, #tpu.memory_space<semaphore_mem>>)
        %dma_wait3A_91 = tpu.memref_slice %arg5[%mul3A_88] : memref<1000000xf32, #tpu.memory_space<vmem_shared>> -> memref<8000xf32, #tpu.memory_space<vmem_shared>>
        %dma_wait3A_92 = tpu.memref_slice %arg5[%mul3A_88] : memref<1000000xf32, #tpu.memory_space<vmem_shared>> -> memref<8000xf32, #tpu.memory_space<vmem_shared>>
        tpu.wait_dma2 semaphore(%run_scoped3A : memref<!tpu.dma_semaphore, #tpu.memory_space<semaphore_mem>>) src(%arg6 : memref<8000xf32, #tpu.memory_space<vmem>>) dst(%dma_wait3A_92 : memref<8000xf32, #tpu.memory_space<vmem_shared>>)
        tpu.yield
      }) : () -> ()
    } else {
    }
    %add3A_26 = arith.constant 48 : i32
    %add3A_27 = arith.addi %arg1, %add3A_26 : i32
    %lt3A_28 = arith.constant 125 : i32
    %lt3A_29 = arith.cmpi slt, %add3A_27, %lt3A_28 : i32
    %convert_element_type3A_30 = arith.extui %lt3A_29 : i1 to i32
    %cond3A_31 = arith.constant 0 : i32
    %cond3A_32 = arith.cmpi ne, %convert_element_type3A_30, %cond3A_31 : i32
    scf.if %cond3A_32 {
      %mul3A_87 = arith.constant 8000 : i32
      %mul3A_88 = arith.muli %add3A_27, %mul3A_87 : i32
      "tpu.region"() ({
        %run_scoped3A = tpu.sem_alloc : memref<!tpu.dma_semaphore, #tpu.memory_space<semaphore_mem>>
        %dma_start3A_89 = tpu.memref_slice %arg3[%mul3A_88] : memref<1000000xf32, #tpu.memory_space<hbm>> -> memref<8000xf32, #tpu.memory_space<hbm>>
        %dma_start3A_90 = tpu.memref_slice %arg3[%mul3A_88] : memref<1000000xf32, #tpu.memory_space<hbm>> -> memref<8000xf32, #tpu.memory_space<hbm>>
        tpu.enqueue_dma source(%dma_start3A_90 : memref<8000xf32, #tpu.memory_space<hbm>>) target(%arg6 : memref<8000xf32, #tpu.memory_space<vmem>>) target_semaphore(%run_scoped3A : memref<!tpu.dma_semaphore, #tpu.memory_space<semaphore_mem>>)
        %dma_wait3A_91 = tpu.memref_slice %arg3[%mul3A_88] : memref<1000000xf32, #tpu.memory_space<hbm>> -> memref<8000xf32, #tpu.memory_space<hbm>>
        %dma_wait3A_92 = tpu.memref_slice %arg3[%mul3A_88] : memref<1000000xf32, #tpu.memory_space<hbm>> -> memref<8000xf32, #tpu.memory_space<hbm>>
        tpu.wait_dma2 semaphore(%run_scoped3A : memref<!tpu.dma_semaphore, #tpu.memory_space<semaphore_mem>>) src(%dma_wait3A_92 : memref<8000xf32, #tpu.memory_space<hbm>>) dst(%arg6 : memref<8000xf32, #tpu.memory_space<vmem>>)
        tpu.yield
      }) : () -> ()
      "tpu.region"() ({
        %run_scoped3A = tpu.sem_alloc : memref<!tpu.dma_semaphore, #tpu.memory_space<semaphore_mem>>
        %dma_start3A_89 = tpu.memref_slice %arg5[%mul3A_88] : memref<1000000xf32, #tpu.memory_space<vmem_shared>> -> memref<8000xf32, #tpu.memory_space<vmem_shared>>
        %dma_start3A_90 = tpu.memref_slice %arg5[%mul3A_88] : memref<1000000xf32, #tpu.memory_space<vmem_shared>> -> memref<8000xf32, #tpu.memory_space<vmem_shared>>
        tpu.enqueue_dma source(%arg6 : memref<8000xf32, #tpu.memory_space<vmem>>) target(%dma_start3A_90 : memref<8000xf32, #tpu.memory_space<vmem_shared>>) target_semaphore(%run_scoped3A : memref<!tpu.dma_semaphore, #tpu.memory_space<semaphore_mem>>)
        %dma_wait3A_91 = tpu.memref_slice %arg5[%mul3A_88] : memref<1000000xf32, #tpu.memory_space<vmem_shared>> -> memref<8000xf32, #tpu.memory_space<vmem_shared>>
        %dma_wait3A_92 = tpu.memref_slice %arg5[%mul3A_88] : memref<1000000xf32, #tpu.memory_space<vmem_shared>> -> memref<8000xf32, #tpu.memory_space<vmem_shared>>
        tpu.wait_dma2 semaphore(%run_scoped3A : memref<!tpu.dma_semaphore, #tpu.memory_space<semaphore_mem>>) src(%arg6 : memref<8000xf32, #tpu.memory_space<vmem>>) dst(%dma_wait3A_92 : memref<8000xf32, #tpu.memory_space<vmem_shared>>)
        tpu.yield
      }) : () -> ()
    } else {
    }
    %add3A_33 = arith.constant 64 : i32
    %add3A_34 = arith.addi %arg1, %add3A_33 : i32
    %lt3A_35 = arith.constant 125 : i32
    %lt3A_36 = arith.cmpi slt, %add3A_34, %lt3A_35 : i32
    %convert_element_type3A_37 = arith.extui %lt3A_36 : i1 to i32
    %cond3A_38 = arith.constant 0 : i32
    %cond3A_39 = arith.cmpi ne, %convert_element_type3A_37, %cond3A_38 : i32
    scf.if %cond3A_39 {
      %mul3A_87 = arith.constant 8000 : i32
      %mul3A_88 = arith.muli %add3A_34, %mul3A_87 : i32
      "tpu.region"() ({
        %run_scoped3A = tpu.sem_alloc : memref<!tpu.dma_semaphore, #tpu.memory_space<semaphore_mem>>
        %dma_start3A_89 = tpu.memref_slice %arg3[%mul3A_88] : memref<1000000xf32, #tpu.memory_space<hbm>> -> memref<8000xf32, #tpu.memory_space<hbm>>
        %dma_start3A_90 = tpu.memref_slice %arg3[%mul3A_88] : memref<1000000xf32, #tpu.memory_space<hbm>> -> memref<8000xf32, #tpu.memory_space<hbm>>
        tpu.enqueue_dma source(%dma_start3A_90 : memref<8000xf32, #tpu.memory_space<hbm>>) target(%arg6 : memref<8000xf32, #tpu.memory_space<vmem>>) target_semaphore(%run_scoped3A : memref<!tpu.dma_semaphore, #tpu.memory_space<semaphore_mem>>)
        %dma_wait3A_91 = tpu.memref_slice %arg3[%mul3A_88] : memref<1000000xf32, #tpu.memory_space<hbm>> -> memref<8000xf32, #tpu.memory_space<hbm>>
        %dma_wait3A_92 = tpu.memref_slice %arg3[%mul3A_88] : memref<1000000xf32, #tpu.memory_space<hbm>> -> memref<8000xf32, #tpu.memory_space<hbm>>
        tpu.wait_dma2 semaphore(%run_scoped3A : memref<!tpu.dma_semaphore, #tpu.memory_space<semaphore_mem>>) src(%dma_wait3A_92 : memref<8000xf32, #tpu.memory_space<hbm>>) dst(%arg6 : memref<8000xf32, #tpu.memory_space<vmem>>)
        tpu.yield
      }) : () -> ()
      "tpu.region"() ({
        %run_scoped3A = tpu.sem_alloc : memref<!tpu.dma_semaphore, #tpu.memory_space<semaphore_mem>>
        %dma_start3A_89 = tpu.memref_slice %arg5[%mul3A_88] : memref<1000000xf32, #tpu.memory_space<vmem_shared>> -> memref<8000xf32, #tpu.memory_space<vmem_shared>>
        %dma_start3A_90 = tpu.memref_slice %arg5[%mul3A_88] : memref<1000000xf32, #tpu.memory_space<vmem_shared>> -> memref<8000xf32, #tpu.memory_space<vmem_shared>>
        tpu.enqueue_dma source(%arg6 : memref<8000xf32, #tpu.memory_space<vmem>>) target(%dma_start3A_90 : memref<8000xf32, #tpu.memory_space<vmem_shared>>) target_semaphore(%run_scoped3A : memref<!tpu.dma_semaphore, #tpu.memory_space<semaphore_mem>>)
        %dma_wait3A_91 = tpu.memref_slice %arg5[%mul3A_88] : memref<1000000xf32, #tpu.memory_space<vmem_shared>> -> memref<8000xf32, #tpu.memory_space<vmem_shared>>
        %dma_wait3A_92 = tpu.memref_slice %arg5[%mul3A_88] : memref<1000000xf32, #tpu.memory_space<vmem_shared>> -> memref<8000xf32, #tpu.memory_space<vmem_shared>>
        tpu.wait_dma2 semaphore(%run_scoped3A : memref<!tpu.dma_semaphore, #tpu.memory_space<semaphore_mem>>) src(%arg6 : memref<8000xf32, #tpu.memory_space<vmem>>) dst(%dma_wait3A_92 : memref<8000xf32, #tpu.memory_space<vmem_shared>>)
        tpu.yield
      }) : () -> ()
    } else {
    }
    %add3A_40 = arith.constant 80 : i32
    %add3A_41 = arith.addi %arg1, %add3A_40 : i32
    %lt3A_42 = arith.constant 125 : i32
    %lt3A_43 = arith.cmpi slt, %add3A_41, %lt3A_42 : i32
    %convert_element_type3A_44 = arith.extui %lt3A_43 : i1 to i32
    %cond3A_45 = arith.constant 0 : i32
    %cond3A_46 = arith.cmpi ne, %convert_element_type3A_44, %cond3A_45 : i32
    scf.if %cond3A_46 {
      %mul3A_87 = arith.constant 8000 : i32
      %mul3A_88 = arith.muli %add3A_41, %mul3A_87 : i32
      "tpu.region"() ({
        %run_scoped3A = tpu.sem_alloc : memref<!tpu.dma_semaphore, #tpu.memory_space<semaphore_mem>>
        %dma_start3A_89 = tpu.memref_slice %arg3[%mul3A_88] : memref<1000000xf32, #tpu.memory_space<hbm>> -> memref<8000xf32, #tpu.memory_space<hbm>>
        %dma_start3A_90 = tpu.memref_slice %arg3[%mul3A_88] : memref<1000000xf32, #tpu.memory_space<hbm>> -> memref<8000xf32, #tpu.memory_space<hbm>>
        tpu.enqueue_dma source(%dma_start3A_90 : memref<8000xf32, #tpu.memory_space<hbm>>) target(%arg6 : memref<8000xf32, #tpu.memory_space<vmem>>) target_semaphore(%run_scoped3A : memref<!tpu.dma_semaphore, #tpu.memory_space<semaphore_mem>>)
        %dma_wait3A_91 = tpu.memref_slice %arg3[%mul3A_88] : memref<1000000xf32, #tpu.memory_space<hbm>> -> memref<8000xf32, #tpu.memory_space<hbm>>
        %dma_wait3A_92 = tpu.memref_slice %arg3[%mul3A_88] : memref<1000000xf32, #tpu.memory_space<hbm>> -> memref<8000xf32, #tpu.memory_space<hbm>>
        tpu.wait_dma2 semaphore(%run_scoped3A : memref<!tpu.dma_semaphore, #tpu.memory_space<semaphore_mem>>) src(%dma_wait3A_92 : memref<8000xf32, #tpu.memory_space<hbm>>) dst(%arg6 : memref<8000xf32, #tpu.memory_space<vmem>>)
        tpu.yield
      }) : () -> ()
      "tpu.region"() ({
        %run_scoped3A = tpu.sem_alloc : memref<!tpu.dma_semaphore, #tpu.memory_space<semaphore_mem>>
        %dma_start3A_89 = tpu.memref_slice %arg5[%mul3A_88] : memref<1000000xf32, #tpu.memory_space<vmem_shared>> -> memref<8000xf32, #tpu.memory_space<vmem_shared>>
        %dma_start3A_90 = tpu.memref_slice %arg5[%mul3A_88] : memref<1000000xf32, #tpu.memory_space<vmem_shared>> -> memref<8000xf32, #tpu.memory_space<vmem_shared>>
        tpu.enqueue_dma source(%arg6 : memref<8000xf32, #tpu.memory_space<vmem>>) target(%dma_start3A_90 : memref<8000xf32, #tpu.memory_space<vmem_shared>>) target_semaphore(%run_scoped3A : memref<!tpu.dma_semaphore, #tpu.memory_space<semaphore_mem>>)
        %dma_wait3A_91 = tpu.memref_slice %arg5[%mul3A_88] : memref<1000000xf32, #tpu.memory_space<vmem_shared>> -> memref<8000xf32, #tpu.memory_space<vmem_shared>>
        %dma_wait3A_92 = tpu.memref_slice %arg5[%mul3A_88] : memref<1000000xf32, #tpu.memory_space<vmem_shared>> -> memref<8000xf32, #tpu.memory_space<vmem_shared>>
        tpu.wait_dma2 semaphore(%run_scoped3A : memref<!tpu.dma_semaphore, #tpu.memory_space<semaphore_mem>>) src(%arg6 : memref<8000xf32, #tpu.memory_space<vmem>>) dst(%dma_wait3A_92 : memref<8000xf32, #tpu.memory_space<vmem_shared>>)
        tpu.yield
      }) : () -> ()
    } else {
    }
    %add3A_47 = arith.constant 96 : i32
    %add3A_48 = arith.addi %arg1, %add3A_47 : i32
    %lt3A_49 = arith.constant 125 : i32
    %lt3A_50 = arith.cmpi slt, %add3A_48, %lt3A_49 : i32
    %convert_element_type3A_51 = arith.extui %lt3A_50 : i1 to i32
    %cond3A_52 = arith.constant 0 : i32
    %cond3A_53 = arith.cmpi ne, %convert_element_type3A_51, %cond3A_52 : i32
    scf.if %cond3A_53 {
      %mul3A_87 = arith.constant 8000 : i32
      %mul3A_88 = arith.muli %add3A_48, %mul3A_87 : i32
      "tpu.region"() ({
        %run_scoped3A = tpu.sem_alloc : memref<!tpu.dma_semaphore, #tpu.memory_space<semaphore_mem>>
        %dma_start3A_89 = tpu.memref_slice %arg3[%mul3A_88] : memref<1000000xf32, #tpu.memory_space<hbm>> -> memref<8000xf32, #tpu.memory_space<hbm>>
        %dma_start3A_90 = tpu.memref_slice %arg3[%mul3A_88] : memref<1000000xf32, #tpu.memory_space<hbm>> -> memref<8000xf32, #tpu.memory_space<hbm>>
        tpu.enqueue_dma source(%dma_start3A_90 : memref<8000xf32, #tpu.memory_space<hbm>>) target(%arg6 : memref<8000xf32, #tpu.memory_space<vmem>>) target_semaphore(%run_scoped3A : memref<!tpu.dma_semaphore, #tpu.memory_space<semaphore_mem>>)
        %dma_wait3A_91 = tpu.memref_slice %arg3[%mul3A_88] : memref<1000000xf32, #tpu.memory_space<hbm>> -> memref<8000xf32, #tpu.memory_space<hbm>>
        %dma_wait3A_92 = tpu.memref_slice %arg3[%mul3A_88] : memref<1000000xf32, #tpu.memory_space<hbm>> -> memref<8000xf32, #tpu.memory_space<hbm>>
        tpu.wait_dma2 semaphore(%run_scoped3A : memref<!tpu.dma_semaphore, #tpu.memory_space<semaphore_mem>>) src(%dma_wait3A_92 : memref<8000xf32, #tpu.memory_space<hbm>>) dst(%arg6 : memref<8000xf32, #tpu.memory_space<vmem>>)
        tpu.yield
      }) : () -> ()
      "tpu.region"() ({
        %run_scoped3A = tpu.sem_alloc : memref<!tpu.dma_semaphore, #tpu.memory_space<semaphore_mem>>
        %dma_start3A_89 = tpu.memref_slice %arg5[%mul3A_88] : memref<1000000xf32, #tpu.memory_space<vmem_shared>> -> memref<8000xf32, #tpu.memory_space<vmem_shared>>
        %dma_start3A_90 = tpu.memref_slice %arg5[%mul3A_88] : memref<1000000xf32, #tpu.memory_space<vmem_shared>> -> memref<8000xf32, #tpu.memory_space<vmem_shared>>
        tpu.enqueue_dma source(%arg6 : memref<8000xf32, #tpu.memory_space<vmem>>) target(%dma_start3A_90 : memref<8000xf32, #tpu.memory_space<vmem_shared>>) target_semaphore(%run_scoped3A : memref<!tpu.dma_semaphore, #tpu.memory_space<semaphore_mem>>)
        %dma_wait3A_91 = tpu.memref_slice %arg5[%mul3A_88] : memref<1000000xf32, #tpu.memory_space<vmem_shared>> -> memref<8000xf32, #tpu.memory_space<vmem_shared>>
        %dma_wait3A_92 = tpu.memref_slice %arg5[%mul3A_88] : memref<1000000xf32, #tpu.memory_space<vmem_shared>> -> memref<8000xf32, #tpu.memory_space<vmem_shared>>
        tpu.wait_dma2 semaphore(%run_scoped3A : memref<!tpu.dma_semaphore, #tpu.memory_space<semaphore_mem>>) src(%arg6 : memref<8000xf32, #tpu.memory_space<vmem>>) dst(%dma_wait3A_92 : memref<8000xf32, #tpu.memory_space<vmem_shared>>)
        tpu.yield
      }) : () -> ()
    } else {
    }
    %add3A_54 = arith.constant 112 : i32
    %add3A_55 = arith.addi %arg1, %add3A_54 : i32
    %lt3A_56 = arith.constant 125 : i32
    %lt3A_57 = arith.cmpi slt, %add3A_55, %lt3A_56 : i32
    %convert_element_type3A_58 = arith.extui %lt3A_57 : i1 to i32
    %cond3A_59 = arith.constant 0 : i32
    %cond3A_60 = arith.cmpi ne, %convert_element_type3A_58, %cond3A_59 : i32
    scf.if %cond3A_60 {
      %mul3A_87 = arith.constant 8000 : i32
      %mul3A_88 = arith.muli %add3A_55, %mul3A_87 : i32
      "tpu.region"() ({
        %run_scoped3A = tpu.sem_alloc : memref<!tpu.dma_semaphore, #tpu.memory_space<semaphore_mem>>
        %dma_start3A_89 = tpu.memref_slice %arg3[%mul3A_88] : memref<1000000xf32, #tpu.memory_space<hbm>> -> memref<8000xf32, #tpu.memory_space<hbm>>
        %dma_start3A_90 = tpu.memref_slice %arg3[%mul3A_88] : memref<1000000xf32, #tpu.memory_space<hbm>> -> memref<8000xf32, #tpu.memory_space<hbm>>
        tpu.enqueue_dma source(%dma_start3A_90 : memref<8000xf32, #tpu.memory_space<hbm>>) target(%arg6 : memref<8000xf32, #tpu.memory_space<vmem>>) target_semaphore(%run_scoped3A : memref<!tpu.dma_semaphore, #tpu.memory_space<semaphore_mem>>)
        %dma_wait3A_91 = tpu.memref_slice %arg3[%mul3A_88] : memref<1000000xf32, #tpu.memory_space<hbm>> -> memref<8000xf32, #tpu.memory_space<hbm>>
        %dma_wait3A_92 = tpu.memref_slice %arg3[%mul3A_88] : memref<1000000xf32, #tpu.memory_space<hbm>> -> memref<8000xf32, #tpu.memory_space<hbm>>
        tpu.wait_dma2 semaphore(%run_scoped3A : memref<!tpu.dma_semaphore, #tpu.memory_space<semaphore_mem>>) src(%dma_wait3A_92 : memref<8000xf32, #tpu.memory_space<hbm>>) dst(%arg6 : memref<8000xf32, #tpu.memory_space<vmem>>)
        tpu.yield
      }) : () -> ()
      "tpu.region"() ({
        %run_scoped3A = tpu.sem_alloc : memref<!tpu.dma_semaphore, #tpu.memory_space<semaphore_mem>>
        %dma_start3A_89 = tpu.memref_slice %arg5[%mul3A_88] : memref<1000000xf32, #tpu.memory_space<vmem_shared>> -> memref<8000xf32, #tpu.memory_space<vmem_shared>>
        %dma_start3A_90 = tpu.memref_slice %arg5[%mul3A_88] : memref<1000000xf32, #tpu.memory_space<vmem_shared>> -> memref<8000xf32, #tpu.memory_space<vmem_shared>>
        tpu.enqueue_dma source(%arg6 : memref<8000xf32, #tpu.memory_space<vmem>>) target(%dma_start3A_90 : memref<8000xf32, #tpu.memory_space<vmem_shared>>) target_semaphore(%run_scoped3A : memref<!tpu.dma_semaphore, #tpu.memory_space<semaphore_mem>>)
        %dma_wait3A_91 = tpu.memref_slice %arg5[%mul3A_88] : memref<1000000xf32, #tpu.memory_space<vmem_shared>> -> memref<8000xf32, #tpu.memory_space<vmem_shared>>
        %dma_wait3A_92 = tpu.memref_slice %arg5[%mul3A_88] : memref<1000000xf32, #tpu.memory_space<vmem_shared>> -> memref<8000xf32, #tpu.memory_space<vmem_shared>>
        tpu.wait_dma2 semaphore(%run_scoped3A : memref<!tpu.dma_semaphore, #tpu.memory_space<semaphore_mem>>) src(%arg6 : memref<8000xf32, #tpu.memory_space<vmem>>) dst(%dma_wait3A_92 : memref<8000xf32, #tpu.memory_space<vmem_shared>>)
        tpu.yield
      }) : () -> ()
    } else {
    }
    %barrier3A = arith.constant 0 : index
    tpu.barrier barrier_id(%barrier3A)
    %scan3A = arith.constant 0 : i32
    %scan3A_61 = arith.constant 10 : i32
    %scan3A_62 = arith.addi %scan3A, %scan3A_61 : i32
    %scan3A_63 = arith.constant 1 : i32
    scf.for %scan3A_87 = %scan3A to %scan3A_62 step %scan3A_63  : i32 {
      %mul3A_88 = arith.constant 1 : i32
      %mul3A_89 = arith.muli %scan3A_87, %mul3A_88 : i32
      %add3A_90 = arith.constant 0 : i32
      %add3A_91 = arith.addi %add3A_90, %mul3A_89 : i32
      %mul3A_92 = arith.constant 2 : i32
      %mul3A_93 = arith.muli %mul3A_92, %add3A_91 : i32
      %add3A_94 = arith.constant 0 : i32
      %add3A_95 = arith.addi %mul3A_93, %add3A_94 : i32
      %jit3A = arith.constant 5 : i32
      %eq3A = arith.constant 0 : i32
      %eq3A_96 = arith.cmpi eq, %jit3A, %eq3A : i32
      %jit3A_97 = arith.constant 1 : i32
      %select_n3A = arith.select %eq3A_96, %jit3A_97, %jit3A : i32
      %rem3A = arith.remsi %add3A_95, %select_n3A : i32
      %ne3A = arith.constant 0 : i32
      %ne3A_98 = arith.cmpi ne, %rem3A, %ne3A : i32
      %lt3A_99 = arith.constant 0 : i32
      %lt3A_100 = arith.cmpi slt, %rem3A, %lt3A_99 : i32
      %lt3A_101 = arith.constant 0 : i32
      %lt3A_102 = arith.cmpi slt, %select_n3A, %lt3A_101 : i32
      %ne3A_103 = arith.xori %lt3A_100, %lt3A_102 : i1
      %and3A = arith.andi %ne3A_103, %ne3A_98 : i1
      %add3A_104 = arith.addi %rem3A, %select_n3A : i32
      %select_n3A_105 = arith.select %and3A, %add3A_104, %rem3A : i32
      %mul3A_106 = arith.constant 40 : i32
      %mul3A_107 = arith.muli %select_n3A_105, %mul3A_106 : i32
      %jit3A_108 = arith.constant 5 : i32
      %div3A = arith.divsi %add3A_95, %jit3A_108 : i32
      %sign3A = arith.constant 0 : i32
      %sign3A_109 = arith.cmpi sgt, %add3A_95, %sign3A : i32
      %sign3A_110 = arith.extui %sign3A_109 : i1 to i32
      %sign3A_111 = arith.constant 0 : i32
      %sign3A_112 = arith.cmpi slt, %add3A_95, %sign3A_111 : i32
      %sign3A_113 = arith.extui %sign3A_112 : i1 to i32
      %sign3A_114 = arith.subi %sign3A_110, %sign3A_113 : i32
      %sign3A_115 = arith.constant 0 : i32
      %sign3A_116 = arith.cmpi sgt, %jit3A_108, %sign3A_115 : i32
      %sign3A_117 = arith.extui %sign3A_116 : i1 to i32
      %sign3A_118 = arith.constant 0 : i32
      %sign3A_119 = arith.cmpi slt, %jit3A_108, %sign3A_118 : i32
      %sign3A_120 = arith.extui %sign3A_119 : i1 to i32
      %sign3A_121 = arith.subi %sign3A_117, %sign3A_120 : i32
      %ne3A_122 = arith.cmpi ne, %sign3A_114, %sign3A_121 : i32
      %rem3A_123 = arith.remsi %add3A_95, %jit3A_108 : i32
      %ne3A_124 = arith.constant 0 : i32
      %ne3A_125 = arith.cmpi ne, %rem3A_123, %ne3A_124 : i32
      %and3A_126 = arith.andi %ne3A_122, %ne3A_125 : i1
      %sub3A = arith.constant 1 : i32
      %sub3A_127 = arith.subi %div3A, %sub3A : i32
      %select_n3A_128 = arith.select %and3A_126, %sub3A_127, %div3A : i32
      %mul3A_129 = arith.constant 128 : i32
      %mul3A_130 = arith.muli %select_n3A_128, %mul3A_129 : i32
      %add3A_131 = arith.addi %mul3A_2, %mul3A_130 : i32
      %dma_wait3A_132 = tpu.memref_slice %arg2[%mul3A_107, %add3A_131] : memref<200x16384xi32, #tpu.memory_space<hbm>> -> memref<40x128xi32, #tpu.memory_space<hbm>>
      %dma_wait3A_133 = tpu.memref_slice %arg2[%mul3A_107, %add3A_131] : memref<200x16384xi32, #tpu.memory_space<hbm>> -> memref<40x128xi32, #tpu.memory_space<hbm>>
      tpu.wait_dma2 semaphore(%arg11 : memref<!tpu.dma_semaphore, #tpu.memory_space<semaphore_mem>>) src(%dma_wait3A_133 : memref<40x128xi32, #tpu.memory_space<hbm>>) dst(%arg7 : memref<40x128xi32, #tpu.memory_space<vmem>>)
      %ge3A = arith.constant 2 : i32
      %ge3A_134 = arith.cmpi sge, %add3A_95, %ge3A : i32
      %convert_element_type3A_135 = arith.extui %ge3A_134 : i1 to i32
      %cond3A_136 = arith.constant 0 : i32
      %cond3A_137 = arith.cmpi ne, %convert_element_type3A_135, %cond3A_136 : i32
      scf.if %cond3A_137 {
        %sub3A_228 = arith.constant 2 : i32
        %sub3A_229 = arith.subi %add3A_95, %sub3A_228 : i32
        %jit3A_230 = arith.constant 5 : i32
        %eq3A_231 = arith.constant 0 : i32
        %eq3A_232 = arith.cmpi eq, %jit3A_230, %eq3A_231 : i32
        %jit3A_233 = arith.constant 1 : i32
        %select_n3A_234 = arith.select %eq3A_232, %jit3A_233, %jit3A_230 : i32
        %rem3A_235 = arith.remsi %sub3A_229, %select_n3A_234 : i32
        %ne3A_236 = arith.constant 0 : i32
        %ne3A_237 = arith.cmpi ne, %rem3A_235, %ne3A_236 : i32
        %lt3A_238 = arith.constant 0 : i32
        %lt3A_239 = arith.cmpi slt, %rem3A_235, %lt3A_238 : i32
        %lt3A_240 = arith.constant 0 : i32
        %lt3A_241 = arith.cmpi slt, %select_n3A_234, %lt3A_240 : i32
        %ne3A_242 = arith.xori %lt3A_239, %lt3A_241 : i1
        %and3A_243 = arith.andi %ne3A_242, %ne3A_237 : i1
        %add3A_244 = arith.addi %rem3A_235, %select_n3A_234 : i32
        %select_n3A_245 = arith.select %and3A_243, %add3A_244, %rem3A_235 : i32
        %mul3A_246 = arith.constant 40 : i32
        %mul3A_247 = arith.muli %select_n3A_245, %mul3A_246 : i32
        %jit3A_248 = arith.constant 5 : i32
        %div3A_249 = arith.divsi %sub3A_229, %jit3A_248 : i32
        %sign3A_250 = arith.constant 0 : i32
        %sign3A_251 = arith.cmpi sgt, %sub3A_229, %sign3A_250 : i32
        %sign3A_252 = arith.extui %sign3A_251 : i1 to i32
        %sign3A_253 = arith.constant 0 : i32
        %sign3A_254 = arith.cmpi slt, %sub3A_229, %sign3A_253 : i32
        %sign3A_255 = arith.extui %sign3A_254 : i1 to i32
        %sign3A_256 = arith.subi %sign3A_252, %sign3A_255 : i32
        %sign3A_257 = arith.constant 0 : i32
        %sign3A_258 = arith.cmpi sgt, %jit3A_248, %sign3A_257 : i32
        %sign3A_259 = arith.extui %sign3A_258 : i1 to i32
        %sign3A_260 = arith.constant 0 : i32
        %sign3A_261 = arith.cmpi slt, %jit3A_248, %sign3A_260 : i32
        %sign3A_262 = arith.extui %sign3A_261 : i1 to i32
        %sign3A_263 = arith.subi %sign3A_259, %sign3A_262 : i32
        %ne3A_264 = arith.cmpi ne, %sign3A_256, %sign3A_263 : i32
        %rem3A_265 = arith.remsi %sub3A_229, %jit3A_248 : i32
        %ne3A_266 = arith.constant 0 : i32
        %ne3A_267 = arith.cmpi ne, %rem3A_265, %ne3A_266 : i32
        %and3A_268 = arith.andi %ne3A_264, %ne3A_267 : i1
        %sub3A_269 = arith.constant 1 : i32
        %sub3A_270 = arith.subi %div3A_249, %sub3A_269 : i32
        %select_n3A_271 = arith.select %and3A_268, %sub3A_270, %div3A_249 : i32
        %mul3A_272 = arith.constant 128 : i32
        %mul3A_273 = arith.muli %select_n3A_271, %mul3A_272 : i32
        %add3A_274 = arith.addi %mul3A_2, %mul3A_273 : i32
        %dma_wait3A_275 = tpu.memref_slice %arg4[%mul3A_247, %add3A_274] : memref<200x16384xf32, #tpu.memory_space<hbm>> -> memref<40x128xf32, #tpu.memory_space<hbm>>
        %dma_wait3A_276 = tpu.memref_slice %arg4[%mul3A_247, %add3A_274] : memref<200x16384xf32, #tpu.memory_space<hbm>> -> memref<40x128xf32, #tpu.memory_space<hbm>>
        tpu.wait_dma2 semaphore(%arg15 : memref<!tpu.dma_semaphore, #tpu.memory_space<semaphore_mem>>) src(%arg9 : memref<40x128xf32, #tpu.memory_space<vmem>>) dst(%dma_wait3A_276 : memref<40x128xf32, #tpu.memory_space<hbm>>)
      } else {
      }
      %scan3A_138 = arith.constant 0 : i32
      %scan3A_139 = arith.constant 40 : i32
      %scan3A_140 = arith.addi %scan3A_138, %scan3A_139 : i32
      %scan3A_141 = arith.constant 1 : i32
      scf.for %scan3A_228 = %scan3A_138 to %scan3A_140 step %scan3A_141  : i32 {
        %mul3A_229 = arith.constant 1 : i32
        %mul3A_230 = arith.muli %scan3A_228, %mul3A_229 : i32
        %add3A_231 = arith.constant 0 : i32
        %add3A_232 = arith.addi %add3A_231, %mul3A_230 : i32
        %dma_start3A_233 = arith.constant 0 : i32
        %dma_start3A_234 = tpu.memref_slice %arg9[%add3A_232, %dma_start3A_233] : memref<40x128xf32, #tpu.memory_space<vmem>> -> memref<1x128xf32, #tpu.memory_space<vmem>>
        %dma_start3A_235 = tpu.memref_squeeze %dma_start3A_234 : memref<1x128xf32, #tpu.memory_space<vmem>> -> memref<128xf32, #tpu.memory_space<vmem>>
        %dma_start3A_236 = arith.constant 0 : i32
        %dma_start3A_237 = tpu.memref_slice %arg7[%add3A_232, %dma_start3A_236] : memref<40x128xi32, #tpu.memory_space<vmem>> -> memref<1x128xi32, #tpu.memory_space<vmem>>
        %dma_start3A_238 = tpu.memref_squeeze %dma_start3A_237 : memref<1x128xi32, #tpu.memory_space<vmem>> -> memref<128xi32, #tpu.memory_space<vmem>>
        %dma_start3A_239 = arith.constant 0 : i32
        %dma_start3A_240 = tpu.memref_slice %arg5[%dma_start3A_239] : memref<1000000xf32, #tpu.memory_space<vmem_shared>> -> memref<1000000xf32, #tpu.memory_space<vmem_shared>>
        tpu.enqueue_indirect_dma source(%dma_start3A_240 : memref<1000000xf32, #tpu.memory_space<vmem_shared>>) target(%dma_start3A_235 : memref<128xf32, #tpu.memory_space<vmem>>) offsets(%dma_start3A_238 : memref<128xi32, #tpu.memory_space<vmem>>) semaphore(%arg13 : memref<!tpu.dma_semaphore, #tpu.memory_space<semaphore_mem>>)
      }
      %scan3A_142 = arith.constant 40 : i32
      %add3A_143 = arith.constant 1 : i32
      %add3A_144 = arith.addi %add3A_95, %add3A_143 : i32
      %lt3A_145 = arith.constant 20 : i32
      %lt3A_146 = arith.cmpi slt, %add3A_144, %lt3A_145 : i32
      %convert_element_type3A_147 = arith.extui %lt3A_146 : i1 to i32
      %cond3A_148 = arith.constant 0 : i32
      %cond3A_149 = arith.cmpi ne, %convert_element_type3A_147, %cond3A_148 : i32
      scf.if %cond3A_149 {
        %add3A_228 = arith.constant 1 : i32
        %add3A_229 = arith.addi %add3A_95, %add3A_228 : i32
        %jit3A_230 = arith.constant 5 : i32
        %eq3A_231 = arith.constant 0 : i32
        %eq3A_232 = arith.cmpi eq, %jit3A_230, %eq3A_231 : i32
        %jit3A_233 = arith.constant 1 : i32
        %select_n3A_234 = arith.select %eq3A_232, %jit3A_233, %jit3A_230 : i32
        %rem3A_235 = arith.remsi %add3A_229, %select_n3A_234 : i32
        %ne3A_236 = arith.constant 0 : i32
        %ne3A_237 = arith.cmpi ne, %rem3A_235, %ne3A_236 : i32
        %lt3A_238 = arith.constant 0 : i32
        %lt3A_239 = arith.cmpi slt, %rem3A_235, %lt3A_238 : i32
        %lt3A_240 = arith.constant 0 : i32
        %lt3A_241 = arith.cmpi slt, %select_n3A_234, %lt3A_240 : i32
        %ne3A_242 = arith.xori %lt3A_239, %lt3A_241 : i1
        %and3A_243 = arith.andi %ne3A_242, %ne3A_237 : i1
        %add3A_244 = arith.addi %rem3A_235, %select_n3A_234 : i32
        %select_n3A_245 = arith.select %and3A_243, %add3A_244, %rem3A_235 : i32
        %mul3A_246 = arith.constant 40 : i32
        %mul3A_247 = arith.muli %select_n3A_245, %mul3A_246 : i32
        %jit3A_248 = arith.constant 5 : i32
        %div3A_249 = arith.divsi %add3A_229, %jit3A_248 : i32
        %sign3A_250 = arith.constant 0 : i32
        %sign3A_251 = arith.cmpi sgt, %add3A_229, %sign3A_250 : i32
        %sign3A_252 = arith.extui %sign3A_251 : i1 to i32
        %sign3A_253 = arith.constant 0 : i32
        %sign3A_254 = arith.cmpi slt, %add3A_229, %sign3A_253 : i32
        %sign3A_255 = arith.extui %sign3A_254 : i1 to i32
        %sign3A_256 = arith.subi %sign3A_252, %sign3A_255 : i32
        %sign3A_257 = arith.constant 0 : i32
        %sign3A_258 = arith.cmpi sgt, %jit3A_248, %sign3A_257 : i32
        %sign3A_259 = arith.extui %sign3A_258 : i1 to i32
        %sign3A_260 = arith.constant 0 : i32
        %sign3A_261 = arith.cmpi slt, %jit3A_248, %sign3A_260 : i32
        %sign3A_262 = arith.extui %sign3A_261 : i1 to i32
        %sign3A_263 = arith.subi %sign3A_259, %sign3A_262 : i32
        %ne3A_264 = arith.cmpi ne, %sign3A_256, %sign3A_263 : i32
        %rem3A_265 = arith.remsi %add3A_229, %jit3A_248 : i32
        %ne3A_266 = arith.constant 0 : i32
        %ne3A_267 = arith.cmpi ne, %rem3A_265, %ne3A_266 : i32
        %and3A_268 = arith.andi %ne3A_264, %ne3A_267 : i1
        %sub3A_269 = arith.constant 1 : i32
        %sub3A_270 = arith.subi %div3A_249, %sub3A_269 : i32
        %select_n3A_271 = arith.select %and3A_268, %sub3A_270, %div3A_249 : i32
        %mul3A_272 = arith.constant 128 : i32
        %mul3A_273 = arith.muli %select_n3A_271, %mul3A_272 : i32
        %add3A_274 = arith.addi %mul3A_2, %mul3A_273 : i32
        %dma_start3A_275 = tpu.memref_slice %arg2[%mul3A_247, %add3A_274] : memref<200x16384xi32, #tpu.memory_space<hbm>> -> memref<40x128xi32, #tpu.memory_space<hbm>>
        %dma_start3A_276 = tpu.memref_slice %arg2[%mul3A_247, %add3A_274] : memref<200x16384xi32, #tpu.memory_space<hbm>> -> memref<40x128xi32, #tpu.memory_space<hbm>>
        tpu.enqueue_dma source(%dma_start3A_276 : memref<40x128xi32, #tpu.memory_space<hbm>>) target(%arg8 : memref<40x128xi32, #tpu.memory_space<vmem>>) target_semaphore(%arg12 : memref<!tpu.dma_semaphore, #tpu.memory_space<semaphore_mem>>)
      } else {
      }
      %ge3A_150 = arith.constant 1 : i32
      %ge3A_151 = arith.cmpi sge, %add3A_95, %ge3A_150 : i32
      %convert_element_type3A_152 = arith.extui %ge3A_151 : i1 to i32
      %cond3A_153 = arith.constant 0 : i32
      %cond3A_154 = arith.cmpi ne, %convert_element_type3A_152, %cond3A_153 : i32
      scf.if %cond3A_154 {
        %scan3A_228 = arith.constant 0 : i32
        %scan3A_229 = arith.constant 40 : i32
        %scan3A_230 = arith.addi %scan3A_228, %scan3A_229 : i32
        %scan3A_231 = arith.constant 1 : i32
        scf.for %scan3A_282 = %scan3A_228 to %scan3A_230 step %scan3A_231  : i32 {
          %mul3A_283 = arith.constant 1 : i32
          %mul3A_284 = arith.muli %scan3A_282, %mul3A_283 : i32
          %add3A_285 = arith.constant 0 : i32
          %add3A_286 = arith.addi %add3A_285, %mul3A_284 : i32
          %dma_wait3A_287 = arith.constant 0 : i32
          %dma_wait3A_288 = tpu.memref_slice %arg10[%add3A_286, %dma_wait3A_287] : memref<40x128xf32, #tpu.memory_space<vmem>> -> memref<1x128xf32, #tpu.memory_space<vmem>>
          %dma_wait3A_289 = tpu.memref_squeeze %dma_wait3A_288 : memref<1x128xf32, #tpu.memory_space<vmem>> -> memref<128xf32, #tpu.memory_space<vmem>>
          %dma_wait3A_290 = arith.constant 0 : i32
          %dma_wait3A_291 = tpu.memref_slice %arg8[%add3A_286, %dma_wait3A_290] : memref<40x128xi32, #tpu.memory_space<vmem>> -> memref<1x128xi32, #tpu.memory_space<vmem>>
          %dma_wait3A_292 = tpu.memref_squeeze %dma_wait3A_291 : memref<1x128xi32, #tpu.memory_space<vmem>> -> memref<128xi32, #tpu.memory_space<vmem>>
          %dma_wait3A_293 = arith.constant 0 : i32
          %dma_wait3A_294 = tpu.memref_slice %arg5[%dma_wait3A_293] : memref<1000000xf32, #tpu.memory_space<vmem_shared>> -> memref<1000000xf32, #tpu.memory_space<vmem_shared>>
          tpu.wait_indirect_dma semaphore(%arg14 : memref<!tpu.dma_semaphore, #tpu.memory_space<semaphore_mem>>) src(%dma_wait3A_294 : memref<1000000xf32, #tpu.memory_space<vmem_shared>>) dst(%dma_wait3A_289 : memref<128xf32, #tpu.memory_space<vmem>>)
        }
        %scan3A_232 = arith.constant 40 : i32
        %sub3A_233 = arith.constant 1 : i32
        %sub3A_234 = arith.subi %add3A_95, %sub3A_233 : i32
        %jit3A_235 = arith.constant 5 : i32
        %eq3A_236 = arith.constant 0 : i32
        %eq3A_237 = arith.cmpi eq, %jit3A_235, %eq3A_236 : i32
        %jit3A_238 = arith.constant 1 : i32
        %select_n3A_239 = arith.select %eq3A_237, %jit3A_238, %jit3A_235 : i32
        %rem3A_240 = arith.remsi %sub3A_234, %select_n3A_239 : i32
        %ne3A_241 = arith.constant 0 : i32
        %ne3A_242 = arith.cmpi ne, %rem3A_240, %ne3A_241 : i32
        %lt3A_243 = arith.constant 0 : i32
        %lt3A_244 = arith.cmpi slt, %rem3A_240, %lt3A_243 : i32
        %lt3A_245 = arith.constant 0 : i32
        %lt3A_246 = arith.cmpi slt, %select_n3A_239, %lt3A_245 : i32
        %ne3A_247 = arith.xori %lt3A_244, %lt3A_246 : i1
        %and3A_248 = arith.andi %ne3A_247, %ne3A_242 : i1
        %add3A_249 = arith.addi %rem3A_240, %select_n3A_239 : i32
        %select_n3A_250 = arith.select %and3A_248, %add3A_249, %rem3A_240 : i32
        %mul3A_251 = arith.constant 40 : i32
        %mul3A_252 = arith.muli %select_n3A_250, %mul3A_251 : i32
        %jit3A_253 = arith.constant 5 : i32
        %div3A_254 = arith.divsi %sub3A_234, %jit3A_253 : i32
        %sign3A_255 = arith.constant 0 : i32
        %sign3A_256 = arith.cmpi sgt, %sub3A_234, %sign3A_255 : i32
        %sign3A_257 = arith.extui %sign3A_256 : i1 to i32
        %sign3A_258 = arith.constant 0 : i32
        %sign3A_259 = arith.cmpi slt, %sub3A_234, %sign3A_258 : i32
        %sign3A_260 = arith.extui %sign3A_259 : i1 to i32
        %sign3A_261 = arith.subi %sign3A_257, %sign3A_260 : i32
        %sign3A_262 = arith.constant 0 : i32
        %sign3A_263 = arith.cmpi sgt, %jit3A_253, %sign3A_262 : i32
        %sign3A_264 = arith.extui %sign3A_263 : i1 to i32
        %sign3A_265 = arith.constant 0 : i32
        %sign3A_266 = arith.cmpi slt, %jit3A_253, %sign3A_265 : i32
        %sign3A_267 = arith.extui %sign3A_266 : i1 to i32
        %sign3A_268 = arith.subi %sign3A_264, %sign3A_267 : i32
        %ne3A_269 = arith.cmpi ne, %sign3A_261, %sign3A_268 : i32
        %rem3A_270 = arith.remsi %sub3A_234, %jit3A_253 : i32
        %ne3A_271 = arith.constant 0 : i32
        %ne3A_272 = arith.cmpi ne, %rem3A_270, %ne3A_271 : i32
        %and3A_273 = arith.andi %ne3A_269, %ne3A_272 : i1
        %sub3A_274 = arith.constant 1 : i32
        %sub3A_275 = arith.subi %div3A_254, %sub3A_274 : i32
        %select_n3A_276 = arith.select %and3A_273, %sub3A_275, %div3A_254 : i32
        %mul3A_277 = arith.constant 128 : i32
        %mul3A_278 = arith.muli %select_n3A_276, %mul3A_277 : i32
        %add3A_279 = arith.addi %mul3A_2, %mul3A_278 : i32
        %dma_start3A_280 = tpu.memref_slice %arg4[%mul3A_252, %add3A_279] : memref<200x16384xf32, #tpu.memory_space<hbm>> -> memref<40x128xf32, #tpu.memory_space<hbm>>
        %dma_start3A_281 = tpu.memref_slice %arg4[%mul3A_252, %add3A_279] : memref<200x16384xf32, #tpu.memory_space<hbm>> -> memref<40x128xf32, #tpu.memory_space<hbm>>
        tpu.enqueue_dma source(%arg10 : memref<40x128xf32, #tpu.memory_space<vmem>>) target(%dma_start3A_281 : memref<40x128xf32, #tpu.memory_space<hbm>>) target_semaphore(%arg16 : memref<!tpu.dma_semaphore, #tpu.memory_space<semaphore_mem>>)
      } else {
      }
      %mul3A_155 = arith.constant 2 : i32
      %mul3A_156 = arith.muli %mul3A_155, %add3A_91 : i32
      %add3A_157 = arith.constant 1 : i32
      %add3A_158 = arith.addi %mul3A_156, %add3A_157 : i32
      %jit3A_159 = arith.constant 5 : i32
      %eq3A_160 = arith.constant 0 : i32
      %eq3A_161 = arith.cmpi eq, %jit3A_159, %eq3A_160 : i32
      %jit3A_162 = arith.constant 1 : i32
      %select_n3A_163 = arith.select %eq3A_161, %jit3A_162, %jit3A_159 : i32
      %rem3A_164 = arith.remsi %add3A_158, %select_n3A_163 : i32
      %ne3A_165 = arith.constant 0 : i32
      %ne3A_166 = arith.cmpi ne, %rem3A_164, %ne3A_165 : i32
      %lt3A_167 = arith.constant 0 : i32
      %lt3A_168 = arith.cmpi slt, %rem3A_164, %lt3A_167 : i32
      %lt3A_169 = arith.constant 0 : i32
      %lt3A_170 = arith.cmpi slt, %select_n3A_163, %lt3A_169 : i32
      %ne3A_171 = arith.xori %lt3A_168, %lt3A_170 : i1
      %and3A_172 = arith.andi %ne3A_171, %ne3A_166 : i1
      %add3A_173 = arith.addi %rem3A_164, %select_n3A_163 : i32
      %select_n3A_174 = arith.select %and3A_172, %add3A_173, %rem3A_164 : i32
      %mul3A_175 = arith.constant 40 : i32
      %mul3A_176 = arith.muli %select_n3A_174, %mul3A_175 : i32
      %jit3A_177 = arith.constant 5 : i32
      %div3A_178 = arith.divsi %add3A_158, %jit3A_177 : i32
      %sign3A_179 = arith.constant 0 : i32
      %sign3A_180 = arith.cmpi sgt, %add3A_158, %sign3A_179 : i32
      %sign3A_181 = arith.extui %sign3A_180 : i1 to i32
      %sign3A_182 = arith.constant 0 : i32
      %sign3A_183 = arith.cmpi slt, %add3A_158, %sign3A_182 : i32
      %sign3A_184 = arith.extui %sign3A_183 : i1 to i32
      %sign3A_185 = arith.subi %sign3A_181, %sign3A_184 : i32
      %sign3A_186 = arith.constant 0 : i32
      %sign3A_187 = arith.cmpi sgt, %jit3A_177, %sign3A_186 : i32
      %sign3A_188 = arith.extui %sign3A_187 : i1 to i32
      %sign3A_189 = arith.constant 0 : i32
      %sign3A_190 = arith.cmpi slt, %jit3A_177, %sign3A_189 : i32
      %sign3A_191 = arith.extui %sign3A_190 : i1 to i32
      %sign3A_192 = arith.subi %sign3A_188, %sign3A_191 : i32
      %ne3A_193 = arith.cmpi ne, %sign3A_185, %sign3A_192 : i32
      %rem3A_194 = arith.remsi %add3A_158, %jit3A_177 : i32
      %ne3A_195 = arith.constant 0 : i32
      %ne3A_196 = arith.cmpi ne, %rem3A_194, %ne3A_195 : i32
      %and3A_197 = arith.andi %ne3A_193, %ne3A_196 : i1
      %sub3A_198 = arith.constant 1 : i32
      %sub3A_199 = arith.subi %div3A_178, %sub3A_198 : i32
      %select_n3A_200 = arith.select %and3A_197, %sub3A_199, %div3A_178 : i32
      %mul3A_201 = arith.constant 128 : i32
      %mul3A_202 = arith.muli %select_n3A_200, %mul3A_201 : i32
      %add3A_203 = arith.addi %mul3A_2, %mul3A_202 : i32
      %dma_wait3A_204 = tpu.memref_slice %arg2[%mul3A_176, %add3A_203] : memref<200x16384xi32, #tpu.memory_space<hbm>> -> memref<40x128xi32, #tpu.memory_space<hbm>>
      %dma_wait3A_205 = tpu.memref_slice %arg2[%mul3A_176, %add3A_203] : memref<200x16384xi32, #tpu.memory_space<hbm>> -> memref<40x128xi32, #tpu.memory_space<hbm>>
      tpu.wait_dma2 semaphore(%arg12 : memref<!tpu.dma_semaphore, #tpu.memory_space<semaphore_mem>>) src(%dma_wait3A_205 : memref<40x128xi32, #tpu.memory_space<hbm>>) dst(%arg8 : memref<40x128xi32, #tpu.memory_space<vmem>>)
      %ge3A_206 = arith.constant 2 : i32
      %ge3A_207 = arith.cmpi sge, %add3A_158, %ge3A_206 : i32
      %convert_element_type3A_208 = arith.extui %ge3A_207 : i1 to i32
      %cond3A_209 = arith.constant 0 : i32
      %cond3A_210 = arith.cmpi ne, %convert_element_type3A_208, %cond3A_209 : i32
      scf.if %cond3A_210 {
        %sub3A_228 = arith.constant 2 : i32
        %sub3A_229 = arith.subi %add3A_158, %sub3A_228 : i32
        %jit3A_230 = arith.constant 5 : i32
        %eq3A_231 = arith.constant 0 : i32
        %eq3A_232 = arith.cmpi eq, %jit3A_230, %eq3A_231 : i32
        %jit3A_233 = arith.constant 1 : i32
        %select_n3A_234 = arith.select %eq3A_232, %jit3A_233, %jit3A_230 : i32
        %rem3A_235 = arith.remsi %sub3A_229, %select_n3A_234 : i32
        %ne3A_236 = arith.constant 0 : i32
        %ne3A_237 = arith.cmpi ne, %rem3A_235, %ne3A_236 : i32
        %lt3A_238 = arith.constant 0 : i32
        %lt3A_239 = arith.cmpi slt, %rem3A_235, %lt3A_238 : i32
        %lt3A_240 = arith.constant 0 : i32
        %lt3A_241 = arith.cmpi slt, %select_n3A_234, %lt3A_240 : i32
        %ne3A_242 = arith.xori %lt3A_239, %lt3A_241 : i1
        %and3A_243 = arith.andi %ne3A_242, %ne3A_237 : i1
        %add3A_244 = arith.addi %rem3A_235, %select_n3A_234 : i32
        %select_n3A_245 = arith.select %and3A_243, %add3A_244, %rem3A_235 : i32
        %mul3A_246 = arith.constant 40 : i32
        %mul3A_247 = arith.muli %select_n3A_245, %mul3A_246 : i32
        %jit3A_248 = arith.constant 5 : i32
        %div3A_249 = arith.divsi %sub3A_229, %jit3A_248 : i32
        %sign3A_250 = arith.constant 0 : i32
        %sign3A_251 = arith.cmpi sgt, %sub3A_229, %sign3A_250 : i32
        %sign3A_252 = arith.extui %sign3A_251 : i1 to i32
        %sign3A_253 = arith.constant 0 : i32
        %sign3A_254 = arith.cmpi slt, %sub3A_229, %sign3A_253 : i32
        %sign3A_255 = arith.extui %sign3A_254 : i1 to i32
        %sign3A_256 = arith.subi %sign3A_252, %sign3A_255 : i32
        %sign3A_257 = arith.constant 0 : i32
        %sign3A_258 = arith.cmpi sgt, %jit3A_248, %sign3A_257 : i32
        %sign3A_259 = arith.extui %sign3A_258 : i1 to i32
        %sign3A_260 = arith.constant 0 : i32
        %sign3A_261 = arith.cmpi slt, %jit3A_248, %sign3A_260 : i32
        %sign3A_262 = arith.extui %sign3A_261 : i1 to i32
        %sign3A_263 = arith.subi %sign3A_259, %sign3A_262 : i32
        %ne3A_264 = arith.cmpi ne, %sign3A_256, %sign3A_263 : i32
        %rem3A_265 = arith.remsi %sub3A_229, %jit3A_248 : i32
        %ne3A_266 = arith.constant 0 : i32
        %ne3A_267 = arith.cmpi ne, %rem3A_265, %ne3A_266 : i32
        %and3A_268 = arith.andi %ne3A_264, %ne3A_267 : i1
        %sub3A_269 = arith.constant 1 : i32
        %sub3A_270 = arith.subi %div3A_249, %sub3A_269 : i32
        %select_n3A_271 = arith.select %and3A_268, %sub3A_270, %div3A_249 : i32
        %mul3A_272 = arith.constant 128 : i32
        %mul3A_273 = arith.muli %select_n3A_271, %mul3A_272 : i32
        %add3A_274 = arith.addi %mul3A_2, %mul3A_273 : i32
        %dma_wait3A_275 = tpu.memref_slice %arg4[%mul3A_247, %add3A_274] : memref<200x16384xf32, #tpu.memory_space<hbm>> -> memref<40x128xf32, #tpu.memory_space<hbm>>
        %dma_wait3A_276 = tpu.memref_slice %arg4[%mul3A_247, %add3A_274] : memref<200x16384xf32, #tpu.memory_space<hbm>> -> memref<40x128xf32, #tpu.memory_space<hbm>>
        tpu.wait_dma2 semaphore(%arg16 : memref<!tpu.dma_semaphore, #tpu.memory_space<semaphore_mem>>) src(%arg10 : memref<40x128xf32, #tpu.memory_space<vmem>>) dst(%dma_wait3A_276 : memref<40x128xf32, #tpu.memory_space<hbm>>)
      } else {
      }
      %scan3A_211 = arith.constant 0 : i32
      %scan3A_212 = arith.constant 40 : i32
      %scan3A_213 = arith.addi %scan3A_211, %scan3A_212 : i32
      %scan3A_214 = arith.constant 1 : i32
      scf.for %scan3A_228 = %scan3A_211 to %scan3A_213 step %scan3A_214  : i32 {
        %mul3A_229 = arith.constant 1 : i32
        %mul3A_230 = arith.muli %scan3A_228, %mul3A_229 : i32
        %add3A_231 = arith.constant 0 : i32
        %add3A_232 = arith.addi %add3A_231, %mul3A_230 : i32
        %dma_start3A_233 = arith.constant 0 : i32
        %dma_start3A_234 = tpu.memref_slice %arg10[%add3A_232, %dma_start3A_233] : memref<40x128xf32, #tpu.memory_space<vmem>> -> memref<1x128xf32, #tpu.memory_space<vmem>>
        %dma_start3A_235 = tpu.memref_squeeze %dma_start3A_234 : memref<1x128xf32, #tpu.memory_space<vmem>> -> memref<128xf32, #tpu.memory_space<vmem>>
        %dma_start3A_236 = arith.constant 0 : i32
        %dma_start3A_237 = tpu.memref_slice %arg8[%add3A_232, %dma_start3A_236] : memref<40x128xi32, #tpu.memory_space<vmem>> -> memref<1x128xi32, #tpu.memory_space<vmem>>
        %dma_start3A_238 = tpu.memref_squeeze %dma_start3A_237 : memref<1x128xi32, #tpu.memory_space<vmem>> -> memref<128xi32, #tpu.memory_space<vmem>>
        %dma_start3A_239 = arith.constant 0 : i32
        %dma_start3A_240 = tpu.memref_slice %arg5[%dma_start3A_239] : memref<1000000xf32, #tpu.memory_space<vmem_shared>> -> memref<1000000xf32, #tpu.memory_space<vmem_shared>>
        tpu.enqueue_indirect_dma source(%dma_start3A_240 : memref<1000000xf32, #tpu.memory_space<vmem_shared>>) target(%dma_start3A_235 : memref<128xf32, #tpu.memory_space<vmem>>) offsets(%dma_start3A_238 : memref<128xi32, #tpu.memory_space<vmem>>) semaphore(%arg14 : memref<!tpu.dma_semaphore, #tpu.memory_space<semaphore_mem>>)
      }
      %scan3A_215 = arith.constant 40 : i32
      %add3A_216 = arith.constant 1 : i32
      %add3A_217 = arith.addi %add3A_158, %add3A_216 : i32
      %lt3A_218 = arith.constant 20 : i32
      %lt3A_219 = arith.cmpi slt, %add3A_217, %lt3A_218 : i32
      %convert_element_type3A_220 = arith.extui %lt3A_219 : i1 to i32
      %cond3A_221 = arith.constant 0 : i32
      %cond3A_222 = arith.cmpi ne, %convert_element_type3A_220, %cond3A_221 : i32
      scf.if %cond3A_222 {
        %add3A_228 = arith.constant 1 : i32
        %add3A_229 = arith.addi %add3A_158, %add3A_228 : i32
        %jit3A_230 = arith.constant 5 : i32
        %eq3A_231 = arith.constant 0 : i32
        %eq3A_232 = arith.cmpi eq, %jit3A_230, %eq3A_231 : i32
        %jit3A_233 = arith.constant 1 : i32
        %select_n3A_234 = arith.select %eq3A_232, %jit3A_233, %jit3A_230 : i32
        %rem3A_235 = arith.remsi %add3A_229, %select_n3A_234 : i32
        %ne3A_236 = arith.constant 0 : i32
        %ne3A_237 = arith.cmpi ne, %rem3A_235, %ne3A_236 : i32
        %lt3A_238 = arith.constant 0 : i32
        %lt3A_239 = arith.cmpi slt, %rem3A_235, %lt3A_238 : i32
        %lt3A_240 = arith.constant 0 : i32
        %lt3A_241 = arith.cmpi slt, %select_n3A_234, %lt3A_240 : i32
        %ne3A_242 = arith.xori %lt3A_239, %lt3A_241 : i1
        %and3A_243 = arith.andi %ne3A_242, %ne3A_237 : i1
        %add3A_244 = arith.addi %rem3A_235, %select_n3A_234 : i32
        %select_n3A_245 = arith.select %and3A_243, %add3A_244, %rem3A_235 : i32
        %mul3A_246 = arith.constant 40 : i32
        %mul3A_247 = arith.muli %select_n3A_245, %mul3A_246 : i32
        %jit3A_248 = arith.constant 5 : i32
        %div3A_249 = arith.divsi %add3A_229, %jit3A_248 : i32
        %sign3A_250 = arith.constant 0 : i32
        %sign3A_251 = arith.cmpi sgt, %add3A_229, %sign3A_250 : i32
        %sign3A_252 = arith.extui %sign3A_251 : i1 to i32
        %sign3A_253 = arith.constant 0 : i32
        %sign3A_254 = arith.cmpi slt, %add3A_229, %sign3A_253 : i32
        %sign3A_255 = arith.extui %sign3A_254 : i1 to i32
        %sign3A_256 = arith.subi %sign3A_252, %sign3A_255 : i32
        %sign3A_257 = arith.constant 0 : i32
        %sign3A_258 = arith.cmpi sgt, %jit3A_248, %sign3A_257 : i32
        %sign3A_259 = arith.extui %sign3A_258 : i1 to i32
        %sign3A_260 = arith.constant 0 : i32
        %sign3A_261 = arith.cmpi slt, %jit3A_248, %sign3A_260 : i32
        %sign3A_262 = arith.extui %sign3A_261 : i1 to i32
        %sign3A_263 = arith.subi %sign3A_259, %sign3A_262 : i32
        %ne3A_264 = arith.cmpi ne, %sign3A_256, %sign3A_263 : i32
        %rem3A_265 = arith.remsi %add3A_229, %jit3A_248 : i32
        %ne3A_266 = arith.constant 0 : i32
        %ne3A_267 = arith.cmpi ne, %rem3A_265, %ne3A_266 : i32
        %and3A_268 = arith.andi %ne3A_264, %ne3A_267 : i1
        %sub3A_269 = arith.constant 1 : i32
        %sub3A_270 = arith.subi %div3A_249, %sub3A_269 : i32
        %select_n3A_271 = arith.select %and3A_268, %sub3A_270, %div3A_249 : i32
        %mul3A_272 = arith.constant 128 : i32
        %mul3A_273 = arith.muli %select_n3A_271, %mul3A_272 : i32
        %add3A_274 = arith.addi %mul3A_2, %mul3A_273 : i32
        %dma_start3A_275 = tpu.memref_slice %arg2[%mul3A_247, %add3A_274] : memref<200x16384xi32, #tpu.memory_space<hbm>> -> memref<40x128xi32, #tpu.memory_space<hbm>>
        %dma_start3A_276 = tpu.memref_slice %arg2[%mul3A_247, %add3A_274] : memref<200x16384xi32, #tpu.memory_space<hbm>> -> memref<40x128xi32, #tpu.memory_space<hbm>>
        tpu.enqueue_dma source(%dma_start3A_276 : memref<40x128xi32, #tpu.memory_space<hbm>>) target(%arg7 : memref<40x128xi32, #tpu.memory_space<vmem>>) target_semaphore(%arg11 : memref<!tpu.dma_semaphore, #tpu.memory_space<semaphore_mem>>)
      } else {
      }
      %ge3A_223 = arith.constant 1 : i32
      %ge3A_224 = arith.cmpi sge, %add3A_158, %ge3A_223 : i32
      %convert_element_type3A_225 = arith.extui %ge3A_224 : i1 to i32
      %cond3A_226 = arith.constant 0 : i32
      %cond3A_227 = arith.cmpi ne, %convert_element_type3A_225, %cond3A_226 : i32
      scf.if %cond3A_227 {
        %scan3A_228 = arith.constant 0 : i32
        %scan3A_229 = arith.constant 40 : i32
        %scan3A_230 = arith.addi %scan3A_228, %scan3A_229 : i32
        %scan3A_231 = arith.constant 1 : i32
        scf.for %scan3A_282 = %scan3A_228 to %scan3A_230 step %scan3A_231  : i32 {
          %mul3A_283 = arith.constant 1 : i32
          %mul3A_284 = arith.muli %scan3A_282, %mul3A_283 : i32
          %add3A_285 = arith.constant 0 : i32
          %add3A_286 = arith.addi %add3A_285, %mul3A_284 : i32
          %dma_wait3A_287 = arith.constant 0 : i32
          %dma_wait3A_288 = tpu.memref_slice %arg9[%add3A_286, %dma_wait3A_287] : memref<40x128xf32, #tpu.memory_space<vmem>> -> memref<1x128xf32, #tpu.memory_space<vmem>>
          %dma_wait3A_289 = tpu.memref_squeeze %dma_wait3A_288 : memref<1x128xf32, #tpu.memory_space<vmem>> -> memref<128xf32, #tpu.memory_space<vmem>>
          %dma_wait3A_290 = arith.constant 0 : i32
          %dma_wait3A_291 = tpu.memref_slice %arg7[%add3A_286, %dma_wait3A_290] : memref<40x128xi32, #tpu.memory_space<vmem>> -> memref<1x128xi32, #tpu.memory_space<vmem>>
          %dma_wait3A_292 = tpu.memref_squeeze %dma_wait3A_291 : memref<1x128xi32, #tpu.memory_space<vmem>> -> memref<128xi32, #tpu.memory_space<vmem>>
          %dma_wait3A_293 = arith.constant 0 : i32
          %dma_wait3A_294 = tpu.memref_slice %arg5[%dma_wait3A_293] : memref<1000000xf32, #tpu.memory_space<vmem_shared>> -> memref<1000000xf32, #tpu.memory_space<vmem_shared>>
          tpu.wait_indirect_dma semaphore(%arg13 : memref<!tpu.dma_semaphore, #tpu.memory_space<semaphore_mem>>) src(%dma_wait3A_294 : memref<1000000xf32, #tpu.memory_space<vmem_shared>>) dst(%dma_wait3A_289 : memref<128xf32, #tpu.memory_space<vmem>>)
        }
        %scan3A_232 = arith.constant 40 : i32
        %sub3A_233 = arith.constant 1 : i32
        %sub3A_234 = arith.subi %add3A_158, %sub3A_233 : i32
        %jit3A_235 = arith.constant 5 : i32
        %eq3A_236 = arith.constant 0 : i32
        %eq3A_237 = arith.cmpi eq, %jit3A_235, %eq3A_236 : i32
        %jit3A_238 = arith.constant 1 : i32
        %select_n3A_239 = arith.select %eq3A_237, %jit3A_238, %jit3A_235 : i32
        %rem3A_240 = arith.remsi %sub3A_234, %select_n3A_239 : i32
        %ne3A_241 = arith.constant 0 : i32
        %ne3A_242 = arith.cmpi ne, %rem3A_240, %ne3A_241 : i32
        %lt3A_243 = arith.constant 0 : i32
        %lt3A_244 = arith.cmpi slt, %rem3A_240, %lt3A_243 : i32
        %lt3A_245 = arith.constant 0 : i32
        %lt3A_246 = arith.cmpi slt, %select_n3A_239, %lt3A_245 : i32
        %ne3A_247 = arith.xori %lt3A_244, %lt3A_246 : i1
        %and3A_248 = arith.andi %ne3A_247, %ne3A_242 : i1
        %add3A_249 = arith.addi %rem3A_240, %select_n3A_239 : i32
        %select_n3A_250 = arith.select %and3A_248, %add3A_249, %rem3A_240 : i32
        %mul3A_251 = arith.constant 40 : i32
        %mul3A_252 = arith.muli %select_n3A_250, %mul3A_251 : i32
        %jit3A_253 = arith.constant 5 : i32
        %div3A_254 = arith.divsi %sub3A_234, %jit3A_253 : i32
        %sign3A_255 = arith.constant 0 : i32
        %sign3A_256 = arith.cmpi sgt, %sub3A_234, %sign3A_255 : i32
        %sign3A_257 = arith.extui %sign3A_256 : i1 to i32
        %sign3A_258 = arith.constant 0 : i32
        %sign3A_259 = arith.cmpi slt, %sub3A_234, %sign3A_258 : i32
        %sign3A_260 = arith.extui %sign3A_259 : i1 to i32
        %sign3A_261 = arith.subi %sign3A_257, %sign3A_260 : i32
        %sign3A_262 = arith.constant 0 : i32
        %sign3A_263 = arith.cmpi sgt, %jit3A_253, %sign3A_262 : i32
        %sign3A_264 = arith.extui %sign3A_263 : i1 to i32
        %sign3A_265 = arith.constant 0 : i32
        %sign3A_266 = arith.cmpi slt, %jit3A_253, %sign3A_265 : i32
        %sign3A_267 = arith.extui %sign3A_266 : i1 to i32
        %sign3A_268 = arith.subi %sign3A_264, %sign3A_267 : i32
        %ne3A_269 = arith.cmpi ne, %sign3A_261, %sign3A_268 : i32
        %rem3A_270 = arith.remsi %sub3A_234, %jit3A_253 : i32
        %ne3A_271 = arith.constant 0 : i32
        %ne3A_272 = arith.cmpi ne, %rem3A_270, %ne3A_271 : i32
        %and3A_273 = arith.andi %ne3A_269, %ne3A_272 : i1
        %sub3A_274 = arith.constant 1 : i32
        %sub3A_275 = arith.subi %div3A_254, %sub3A_274 : i32
        %select_n3A_276 = arith.select %and3A_273, %sub3A_275, %div3A_254 : i32
        %mul3A_277 = arith.constant 128 : i32
        %mul3A_278 = arith.muli %select_n3A_276, %mul3A_277 : i32
        %add3A_279 = arith.addi %mul3A_2, %mul3A_278 : i32
        %dma_start3A_280 = tpu.memref_slice %arg4[%mul3A_252, %add3A_279] : memref<200x16384xf32, #tpu.memory_space<hbm>> -> memref<40x128xf32, #tpu.memory_space<hbm>>
        %dma_start3A_281 = tpu.memref_slice %arg4[%mul3A_252, %add3A_279] : memref<200x16384xf32, #tpu.memory_space<hbm>> -> memref<40x128xf32, #tpu.memory_space<hbm>>
        tpu.enqueue_dma source(%arg9 : memref<40x128xf32, #tpu.memory_space<vmem>>) target(%dma_start3A_281 : memref<40x128xf32, #tpu.memory_space<hbm>>) target_semaphore(%arg15 : memref<!tpu.dma_semaphore, #tpu.memory_space<semaphore_mem>>)
      } else {
      }
    }
    %scan3A_64 = arith.constant 10 : i32
    %scan3A_65 = arith.constant 0 : i32
    %scan3A_66 = arith.constant 40 : i32
    %scan3A_67 = arith.addi %scan3A_65, %scan3A_66 : i32
    %scan3A_68 = arith.constant 1 : i32
    scf.for %scan3A_87 = %scan3A_65 to %scan3A_67 step %scan3A_68  : i32 {
      %mul3A_88 = arith.constant 1 : i32
      %mul3A_89 = arith.muli %scan3A_87, %mul3A_88 : i32
      %add3A_90 = arith.constant 0 : i32
      %add3A_91 = arith.addi %add3A_90, %mul3A_89 : i32
      %dma_wait3A_92 = arith.constant 0 : i32
      %dma_wait3A_93 = tpu.memref_slice %arg10[%add3A_91, %dma_wait3A_92] : memref<40x128xf32, #tpu.memory_space<vmem>> -> memref<1x128xf32, #tpu.memory_space<vmem>>
      %dma_wait3A_94 = tpu.memref_squeeze %dma_wait3A_93 : memref<1x128xf32, #tpu.memory_space<vmem>> -> memref<128xf32, #tpu.memory_space<vmem>>
      %dma_wait3A_95 = arith.constant 0 : i32
      %dma_wait3A_96 = tpu.memref_slice %arg8[%add3A_91, %dma_wait3A_95] : memref<40x128xi32, #tpu.memory_space<vmem>> -> memref<1x128xi32, #tpu.memory_space<vmem>>
      %dma_wait3A_97 = tpu.memref_squeeze %dma_wait3A_96 : memref<1x128xi32, #tpu.memory_space<vmem>> -> memref<128xi32, #tpu.memory_space<vmem>>
      %dma_wait3A_98 = arith.constant 0 : i32
      %dma_wait3A_99 = tpu.memref_slice %arg5[%dma_wait3A_98] : memref<1000000xf32, #tpu.memory_space<vmem_shared>> -> memref<1000000xf32, #tpu.memory_space<vmem_shared>>
      tpu.wait_indirect_dma semaphore(%arg14 : memref<!tpu.dma_semaphore, #tpu.memory_space<semaphore_mem>>) src(%dma_wait3A_99 : memref<1000000xf32, #tpu.memory_space<vmem_shared>>) dst(%dma_wait3A_94 : memref<128xf32, #tpu.memory_space<vmem>>)
    }
    %scan3A_69 = arith.constant 40 : i32
    %add3A_70 = arith.constant 384 : i32
    %add3A_71 = arith.addi %mul3A_2, %add3A_70 : i32
    %dma_start3A_72 = arith.constant 160 : i32
    %dma_start3A_73 = tpu.memref_slice %arg4[%dma_start3A_72, %add3A_71] : memref<200x16384xf32, #tpu.memory_space<hbm>> -> memref<40x128xf32, #tpu.memory_space<hbm>>
    %dma_start3A_74 = arith.constant 160 : i32
    %dma_start3A_75 = tpu.memref_slice %arg4[%dma_start3A_74, %add3A_71] : memref<200x16384xf32, #tpu.memory_space<hbm>> -> memref<40x128xf32, #tpu.memory_space<hbm>>
    tpu.enqueue_dma source(%arg10 : memref<40x128xf32, #tpu.memory_space<vmem>>) target(%dma_start3A_75 : memref<40x128xf32, #tpu.memory_space<hbm>>) target_semaphore(%arg16 : memref<!tpu.dma_semaphore, #tpu.memory_space<semaphore_mem>>)
    %add3A_76 = arith.constant 384 : i32
    %add3A_77 = arith.addi %mul3A_2, %add3A_76 : i32
    %dma_wait3A = arith.constant 120 : i32
    %dma_wait3A_78 = tpu.memref_slice %arg4[%dma_wait3A, %add3A_77] : memref<200x16384xf32, #tpu.memory_space<hbm>> -> memref<40x128xf32, #tpu.memory_space<hbm>>
    %dma_wait3A_79 = arith.constant 120 : i32
    %dma_wait3A_80 = tpu.memref_slice %arg4[%dma_wait3A_79, %add3A_77] : memref<200x16384xf32, #tpu.memory_space<hbm>> -> memref<40x128xf32, #tpu.memory_space<hbm>>
    tpu.wait_dma2 semaphore(%arg15 : memref<!tpu.dma_semaphore, #tpu.memory_space<semaphore_mem>>) src(%arg9 : memref<40x128xf32, #tpu.memory_space<vmem>>) dst(%dma_wait3A_80 : memref<40x128xf32, #tpu.memory_space<hbm>>)
    %add3A_81 = arith.constant 384 : i32
    %add3A_82 = arith.addi %mul3A_2, %add3A_81 : i32
    %dma_wait3A_83 = arith.constant 160 : i32
    %dma_wait3A_84 = tpu.memref_slice %arg4[%dma_wait3A_83, %add3A_82] : memref<200x16384xf32, #tpu.memory_space<hbm>> -> memref<40x128xf32, #tpu.memory_space<hbm>>
    %dma_wait3A_85 = arith.constant 160 : i32
    %dma_wait3A_86 = tpu.memref_slice %arg4[%dma_wait3A_85, %add3A_82] : memref<200x16384xf32, #tpu.memory_space<hbm>> -> memref<40x128xf32, #tpu.memory_space<hbm>>
    tpu.wait_dma2 semaphore(%arg16 : memref<!tpu.dma_semaphore, #tpu.memory_space<semaphore_mem>>) src(%arg10 : memref<40x128xf32, #tpu.memory_space<vmem>>) dst(%dma_wait3A_86 : memref<40x128xf32, #tpu.memory_space<hbm>>)
    return
  }
}

</mosaic_0001>

<sc_bundles>
// kernel: kernel.3.cloned.1.call-start
scs
__scs_entry_jumppad:
0x0: {  	(pc) =	sbr.rel $0x88, $3  }
0x1: {  	(tag) =	ssettag $0x0;
	lr =	simm.s32 $0x1  }
0x2: {  	[smem:$0x3F9F] =	sst lr;
	_ =	strace $0xD0000000  }
0x3: {  	_ = 	snop  }
0x4: {  	_ = 	snop  }
0x5: {  	_ = 	snop  }
0x6: {  	_ = 	snop  }
0x7: {  	_ = 	snop  }
__scs_overlays_trampoline_lowered:
0x8: {  	[smem:$0x3FAE] =	sst s0  }
0x9: {  	[smem:$0x3FAF] =	sst s1  }
0xa: {  	[smem:$0x3FB0] =	sst s2  }
0xb: {  	[smem:$0x3FB1] =	sst s3  }
0xc: {  	[smem:$0x3FB2] =	sst s4  }
0xd: {  	[smem:$0x3FB3] =	sst s5  }
0xe: {  	[smem:$0x3FB4] =	sst s6  }
0xf: {  	[smem:$0x3FB5] =	sst s7  }
0x10: {  	[smem:$0x3FB6] =	sst s8  }
0x11: {  	[smem:$0x3FB7] =	sst s9;
	s0 =	simm.s32 @!p0 $0x0  }
0x12: {  	s1 =	sld [smem:$0x3F9D];
	s0 =	simm.s32 @p0 $0x1  }
0x13: {  	[smem:$0x3FB8] =	sst s0;
	s0 =	simm.s32 @!p1 $0x0  }
0x14: {  	s2 =	sld [smem:$0x3F9C];
	s0 =	simm.s32 @p1 $0x1  }
0x15: {  	[smem:$0x3FB9] =	sst s0;
	s0 =	simm.s32 @!p2 $0x0  }
0x16: {  	s3 =	sld [smem:$0x3FDB];
	s0 =	simm.s32 @p2 $0x1  }
0x17: {  	s4 =	simm.s32 $0x1BF5;
	[smem:$0x3FBB] =	sst s0  }
0x18: {  	s0 =	sld [smem:$0x3F9E];
	_ =	swait.ge [sflag:s4], $0x0  }
0x19: {  	s7 =	sld [smem:$0x3F9F]  }
0x1a: {  	s8 =	sadd.s32 $0xFFFFE003, lr  }
0x1b: {  	s9 =	sadd.s32 $0xFFFFFEF7, lr;
	s5 =	simm.s32 $0xFFFFFFFF;
	p2 =	slt.u32 s8, $0xFFFFF086  }
0x1c: {  	p1 =	slt.u32 s9, $0xF7A;
	s5 =	simm.s32 @!p2 $0x0  }
0x1d: {  	s5 =	simm.s32 @p1 $0x1;
	p0 =	seq.s32 s7, s2  }
0x1e: {  	s7 =	smul.u32 @!p0 $0xF7A, s2;
	p2 =	seq.s32 @!p0 s5, $0x0  }
0x1f: {  	s9 =	smul.u32 $0xF7A, s1;
	s8 =	simm.s32 @!p0 $0x1BF5;
	p2 =	por !p2, p0  }
0x20: {  	[sflag:s8] =	ssyncset.s32 @!p0 $0xFFFFF086;
	s6 =	sadd.s32 @!p0 s3, s7;
	s7 =	simm.s32 @!p0 $0x108  }
0x21: {  	s3 =	sadd.s32 s3, s9;
	s6 =	sadd.s32 @!p0 $0x88, s6;
	s7 =	simm.s32 @p2 $0x1082  }
0x22: {  	[simem:s7], [sflag:s8] =	dma.local @!p0 [hbm:s6], $0xF7A  }
0x23: {  	s9 =	sor.u32 $0xD0000000, s2;
	s6 =	simm.s32 $0x108;
	_ =	swait.ge @!p0 [sflag:s8], $0x0  }
0x24: {  	s3 =	sadd.s32 $0x88, s3;
	s6 =	simm.s32 @!p1 $0x1082;
	[sflag:s4] =	ssyncset.s32 $0xFFFFF086  }
0x25: {  	[simem:s6], [sflag:s4] =	dma.local [hbm:s3], $0xF7A  }
0x26: {  	[smem:$0x3F9F] =	sst s1;
	(tag) =	ssettag s2;
	_ =	strace s9  }
0x27: {  	s1 =	sld [smem:$0x3FAF]  }
0x28: {  	s2 =	sld [smem:$0x3FB0]  }
0x29: {  	s4 =	sld [smem:$0x3FB2]  }
0x2a: {  	p0 =	seq.s32 s5, $0x0;
	s5 =	sld [smem:$0x3FB3]  }
0x2b: {  	s6 =	sld [smem:$0x3FB4]  }
0x2c: {  	s7 =	sld [smem:$0x3FB5]  }
0x2d: {  	s3 =	simm.s32 $0x108;
	s8 =	sld [smem:$0x3FB6]  }
0x2e: {  	s3 =	simm.s32 @!p0 $0x1082;
	s9 =	sld [smem:$0x3FB7]  }
0x2f: {  	lr =	sadd.s32 s0, s3;
	s0 =	sld [smem:$0x3FAE]  }
0x30: {  	s3 =	sld [smem:$0x3FB1]  }
0x31: {  	[smem:$0x3FBA] =	sst s10  }
0x32: {  	s10 =	sld [smem:$0x3FB8];
	_ =	sdelay $0x3  }
0x33: {  	p0 =	seq.s32 s10, $0x1;
	s10 =	sld [smem:$0x3FBA];
	_ =	sdelay $0x3  }
0x34: {  	[smem:$0x3FBA] =	sst s10  }
0x35: {  	s10 =	sld [smem:$0x3FB9];
	_ =	sdelay $0x3  }
0x36: {  	p1 =	seq.s32 s10, $0x1;
	s10 =	sld [smem:$0x3FBA];
	_ =	sdelay $0x3  }
0x37: {  	[smem:$0x3FBA] =	sst s10  }
0x38: {  	s10 =	sld [smem:$0x3FBB]  }
0x39: {  	_ = 	snop;
	(pc) =	sbr.ind lr, $3  }
0x3a: {  	_ = 	snop  }
0x3b: {  	_ = 	snop  }
0x3c: {  	p2 =	seq.s32 s10, $0x1;
	s10 =	sld [smem:$0x3FBA]  }
0x3d: {  	_ =	shalt  }
0x3e: {  	_ =	shalt  }
0x3f: {  	_ =	shalt  }
0x40: {  	_ =	shalt  }
0x41: {  	_ =	shalt  }
0x42: {  	_ =	shalt  }
0x43: {  	_ =	shalt  }
0x44: {  	_ =	shalt  }
0x45: {  	_ =	shalt  }
0x46: {  	_ =	shalt  }
0x47: {  	_ =	shalt  }
0x48: {  	_ =	shalt  }
0x49: {  	_ =	shalt  }
0x4a: {  	_ =	shalt  }
0x4b: {  	_ =	shalt  }
0x4c: {  	_ =	shalt  }
0x4d: {  	_ =	shalt  }
0x4e: {  	_ =	shalt  }
0x4f: {  	_ =	shalt  }
0x50: {  	_ =	shalt  }
0x51: {  	_ =	shalt  }
0x52: {  	_ =	shalt  }
0x53: {  	_ =	shalt  }
0x54: {  	_ =	shalt  }
0x55: {  	_ =	shalt  }
0x56: {  	_ =	shalt  }
0x57: {  	_ =	shalt  }
0x58: {  	_ =	shalt  }
0x59: {  	_ =	shalt  }
0x5a: {  	_ =	shalt  }
0x5b: {  	_ =	shalt  }
0x5c: {  	_ =	shalt  }
0x5d: {  	_ =	shalt  }
0x5e: {  	_ =	shalt  }
0x5f: {  	_ =	shalt  }
0x60: {  	_ =	shalt  }
0x61: {  	_ =	shalt  }
0x62: {  	_ =	shalt  }
0x63: {  	_ =	shalt  }
0x64: {  	_ =	shalt  }
0x65: {  	_ =	shalt  }
0x66: {  	_ =	shalt  }
0x67: {  	_ =	shalt  }
0x68: {  	_ =	shalt  }
0x69: {  	_ =	shalt  }
0x6a: {  	_ =	shalt  }
0x6b: {  	_ =	shalt  }
0x6c: {  	_ =	shalt  }
0x6d: {  	_ =	shalt  }
0x6e: {  	_ =	shalt  }
0x6f: {  	_ =	shalt  }
0x70: {  	_ =	shalt  }
0x71: {  	_ =	shalt  }
0x72: {  	_ =	shalt  }
0x73: {  	_ =	shalt  }
0x74: {  	_ =	shalt  }
0x75: {  	_ =	shalt  }
0x76: {  	_ =	shalt  }
0x77: {  	_ =	shalt  }
0x78: {  	_ =	shalt  }
0x79: {  	_ =	shalt  }
0x7a: {  	_ =	shalt  }
0x7b: {  	_ =	shalt  }
0x7c: {  	_ =	shalt  }
0x7d: {  	_ =	shalt  }
0x7e: {  	_ =	shalt  }
0x7f: {  	_ =	shalt  }
0x80: {  	_ =	shalt  }
0x81: {  	_ =	shalt  }
0x82: {  	_ =	shalt  }
0x83: {  	_ =	shalt  }
0x84: {  	_ =	shalt  }
0x85: {  	_ =	shalt  }
0x86: {  	_ =	shalt  }
0x87: {  	_ =	shalt  }
.Lfunc_end0:
.L_simem_size_0:
called_computation_lowered:
.L_overlay_start_0:
0x88: {  	s2 =	sld [smem:$0x3FD9]  }
0x89: {  	s3 =	sld [smem:$0x3FFE];
	_ =	sdelay $0x1  }
0x8a: {  	s1 =	srdreg.scid  }
0x8b: {  	s0 =	sand.u32 $0x1, s1  }
0x8c: {  	s18 =	sshll.u32 s0, $0xA;
	s2 =	sadd.s32 s3, s2  }
0x8d: {  	s2 =	sadd.s32 s2, s18  }
0x8e: {  	[smem:$0x3FC6] =	sst s2  }
0x8f: {  	_ = 	snop  }
0x90: {  	s2 =	sld [smem:$0x3FC9]  }
0x91: {  	s19 =	sld [smem:$0x3FC8]  }
0x92: {  	s4 =	sld [smem:$0x3FD0];
	(tm) =	ssettm $0x1  }
0x93: {  	s5 =	sld [smem:$0x3FFB];
	_ =	sdelay $0x3  }
0x94: {  	_ =	strace s5  }
0x95: {  	s5 =	sld [smem:$0x3FFC];
	_ =	sdelay $0x3  }
0x96: {  	_ =	strace s5  }
0x97: {  	s5 =	sld [smem:$0x3FFD];
	_ =	sdelay $0x3  }
0x98: {  	_ =	strace s5  }
0x99: {  	_ =	strace $0x8FFFFFFF  }
0x9a: {  	s20 =	sld [smem:$0x3FDB];
	_ =	sdelay $0x1  }
0x9b: {  	s6 =	simm.s32 $_scs_section_size  }
0x9c: {  	s7 =	simm.s32 $_size__tile_overlayer_lowered;
	s8 =	simm.s32 $_tile_overlayer_lowered  }
0x9d: {  	s23 =	simm.s32 $0x1BFF;
	s22 =	sshll.u32 s8, $0x1;
	s5 =	sadd.s32 s6, s20  }
0x9e: {  	s9 =	simm.s32 $0x0;
	s21 =	sshll.u32 s7, $0x1;
	s7 =	sadd.s32 s22, s5  }
0x9f: {  	[timem:s9], [sflag:s23] =	dma.local [hbm:s7], s21  }
0xa0: {  	_ =	swait.ge [sflag:s23], s21  }
0xa1: {  	s6 =	ssub.s32 $0x0, s21;
	[sflag:s23] =	ssyncset.done $0x0  }
0xa2: {  	[sflag:s23] =	ssyncadd.s32 s6;
	_ =	sdelay $0x1  }
0xa3: {  	s24 =	simm.s32 $0x1B8B  }
0xa4: {  	_ =	swait.ge [sflag:s24], $0x1  }
0xa5: {  	[sflag:s24] =	ssyncset.done $0x0  }
0xa6: {  	s25 =	simm.s32 $0x1B8E;
	[sflag:s24] =	ssyncadd.s32 $0xFFFFFFFF  }
0xa7: {  	s26 =	simm.s32 $execute0_lowered;
	[smem:$0x3FD2] =	sst s25  }
0xa8: {  	s6 =	sshll.u32 s26, $0x1;
	_ =	strace $0x80000046;
	[dreg:$0x1] =	wrdreg $0xFFFFFFFF  }
0xa9: {  	s28 =	simm.s32 $_size_execute0_lowered;
	s5 =	sadd.s32 s5, s6;
	[dreg:$0x0] =	wrdreg $0x0  }
0xaa: {  	s6 =	sshll.u32 s28, $0x1;
	[dreg:$0x2] =	wrdreg s5  }
0xab: {  	[dreg:$0x3] =	wrdreg s6  }
0xac: {  	[dreg:$0x4] =	wrdreg $0xC0  }
0xad: {  	_ =	task [dreg:s9], $0x5FFFF  }
0xae: {  	[dreg:$0x1] =	wrdreg $0xFFFFFFFF  }
0xaf: {  	[dreg:$0x0] =	wrdreg $0x60  }
0xb0: {  	[dreg:$0x2] =	wrdreg s2  }
0xb1: {  	[dreg:$0x3] =	wrdreg s19  }
0xb2: {  	[dreg:$0x4] =	wrdreg s4  }
0xb3: {  	[dreg:$0x5] =	wrdreg $0x0  }
0xb4: {  	[dreg:$0x6] =	wrdreg $0x9  }
0xb5: {  	_ =	task.clear_ibuf [dreg:s9], $0x7FFFF;
	_ =	strace $0x90000046  }
0xb6: {  	s29 =	simm.s32 $0x9;
	_ =	strace $0x80000048  }
0xb7: {  	_ =	swait.ge [sflag:s29], $0x1  }
0xb8: {  	[sflag:s29] =	ssyncadd.s32 $0xFFFFFFFF  }
0xb9: {  	_ =	strace $0x90000048  }
0xba: {  	_ =	sfence  }
0xbb: {  	s30 =	sld [smem:$0x0];
	_ =	sdelay $0x2  }
0xbc: {  	s31 =	sshll.u32 s1, $0xD;
	s1 =	sshrl.u32 s1, $0x2  }
0xbd: {  	s3 =	sand.u32 $0x4000, s31;
	s1 =	sadd.s32 s1, s30  }
0xbe: {  	s0 =	sor.u32 s3, s0;
	s1 =	sshll.u32 s1, $0x11  }
0xbf: {  	s0 =	sor.u32 s1, s0  }
0xc0: {  	s0 =	sadd.s32 $0x8F2B, s0  }
0xc1: {  	[sflag:s0] =	ssyncadd.remote.s32 $0x1  }
0xc2: {  	_ =	sfence.sel $0xFFFF  }
0xc3: {  	[dreg:$0x0] =	wrdreg $0xFFFFFFFF;
	(pc) =	sbr.abs _section_cstart, $3  }
0xc4: {  	[dreg:$0x1] =	wrdreg $0xFFFFFFFF  }
0xc5: {  	_ =	task.clear_ibuf [dreg:s9], $0x2FFFF;
	_ =	strace $0x9FFFFFFF  }
0xc6: {  	(tm) =	ssettm $0x7FFFFFFF  }
0xc7: {  	_ =	shalt  }
tec
execute0_lowered:
.L_overlay_start_1:
0x0: {  	(tag) =	ssettag $0x1  }
0x1: {  	s1 =	rddreg [dreg:$0x0]  }
0x2: {  	s0 =	rddreg [dreg:$0x1]  }
0x3: {  	s2 =	rddreg [dreg:$0x2]  }
0x4: {  	s3 =	rddreg [dreg:$0x3];
	s4 =	srdreg.scid  }
0x5: {  	s5 =	simm.s32 $0x0;
	s12 =	stileid.u32;
	s28 =	simm.s32 $0x20000  }
0x6: {  	s30 =	simm.s32 $0xF428;
	s31 =	simm.s32 $0x7;
	s29 =	simm.s32 $0x127A8  }
0x7: {  	s4 =	sand.u32 $0x1, s4;
	[smem:$0x7FF] =	sst s5;
	s8 =	smul.u32 $0x1F40, s12  }
0x8: {  	s20 =	sshll.u32 s12, $0xA;
	p0 =	sgt.u32 s12, $0xC;
	s12 =	simm.s32 $0x2  }
0x9: {  	s6 =	ssub.s32 $0x2, s4;
	_ =	strace $0x80000047;
	s4 =	sshll.u32 s4, $0x9  }
0xa: {  	s7 =	sshrl.u32 s6, $0x1;
	s4 =	sor.u32 s4, s20;
	s21 =	sshrl.u32 s8, $0x3  }
0xb: {  	s9 =	sadd.s32 $0x1F400, s8;
	s23 =	sadd.s32 s8, s3;
	s24 =	sadd.s32 $0x3E800, s8  }
0xc: {  	s26 =	sadd.s32 $0x5DC00, s8;
	s11 =	sadd.s32 $0x7D000, s8;
	s17 =	sadd.s32 $0x9C400, s8  }
0xd: {  	s20 =	sadd.s32 $0xBB800, s8;
	s8 =	sadd.s32 $0xDAC00, s8;
	s6 =	ssub.s32 s6, s7  }
0xe: {  	s10 =	sadd.s32 s1, s4;
	s7 =	sadd.s32 s0, s21;
	[dreg:$0x7] =	wrdreg s23  }
0xf: {  	s22 =	sshrl.u32 s9, $0x3;
	s9 =	sadd.s32 s9, s3;
	[dreg:$0x5] =	wrdreg s10  }
0x10: {  	s25 =	sshrl.u32 s24, $0x3;
	s13 =	sshrl.u32 s26, $0x3;
	[dreg:$0x6] =	wrdreg s7  }
0x11: {  	s15 =	sshrl.u32 s11, $0x3;
	s16 =	sadd.s32 s26, s3;
	[dreg:$0x9] =	wrdreg s9  }
0x12: {  	s18 =	sadd.s32 s11, s3;
	s19 =	sshrl.u32 s17, $0x3;
	[dreg:$0xd] =	wrdreg s16  }
0x13: {  	s21 =	sshrl.u32 s20, $0x3;
	s26 =	sadd.s32 s8, s3;
	[dreg:$0xf] =	wrdreg s18  }
0x14: {  	s23 =	sshrl.u32 s8, $0x3;
	s7 =	sadd.s32 s0, s22;
	[dreg:$0x15] =	wrdreg s26  }
0x15: {  	s8 =	simm.s32 $0x4;
	s9 =	sadd.s32 s0, s25;
	[dreg:$0x8] =	wrdreg s7  }
0x16: {  	s11 =	simm.s32 $0x6;
	s14 =	sadd.s32 s0, s13;
	[dreg:$0xa] =	wrdreg s9  }
0x17: {  	s22 =	sadd.s32 s0, s21;
	s25 =	sadd.s32 s4, s2;
	[dreg:$0xc] =	wrdreg s14  }
0x18: {  	s26 =	simm.s32 $0x400;
	s7 =	sadd.s32 s24, s3;
	[dreg:$0x12] =	wrdreg s22  }
0x19: {  	s10 =	simm.s32 $0x5;
	s9 =	sadd.s32 s0, s19;
	[dreg:$0xb] =	wrdreg s7  }
0x1a: {  	s13 =	simm.s32 $0x0;
	s24 =	sadd.s32 s20, s3;
	[dreg:$0x10] =	wrdreg s9  }
0x1b: {  	s7 =	sadd.s32 s0, s15;
	[dreg:$0x13] =	wrdreg s24;
	s0 =	sadd.s32 s0, s23  }
0x1c: {  	s23 =	sshrl.u32 s4, $0x7;
	s24 =	sadd.s32 $0x50180, s25;
	s25 =	smax.u32 s6, $0x1  }
0x1d: {  	s4 =	simm.s32 $0x80;
	s6 =	simm.s32 $0x3;
	[dreg:$0xe] =	wrdreg s7  }
0x1e: {  	s9 =	simm.s32 $0x14FA8;
	s7 =	sadd.s32 s17, s3;
	[dreg:$0x14] =	wrdreg s0  }
0x1f: {  	s0 =	simm.s32 $0x1;
	[dreg:$0x11] =	wrdreg s7;
	s7 =	simm.s32 $0x13BA8  }
.LBB2_1:
0x20: {  	s14 =	rddreg [dreg:$0x5];
	s15 =	simm.s32 $0x113A8  }
0x21: {  	[tilespmem:s15], [sflag:$0x1] =	stream.strided.gather [hbm4b:s14+s26], $0x1400, s28, s26, $0x38;
	[tilespmem:$0x163A8] =	vst v63  }
0x22: {  	s17 =	rddreg [dreg:$0x6]  }
0x23: {  	[tilespmem:s30], [sflag:$0x7] =	stream.linear.gather [hbm4b:s17+s5], $0x1F40, $0x38;
	[tilespmem:$0x163A8] =	vst v63  }
0x24: {  	_ =	swait.ge [sflag:s31], $0x1F40  }
0x25: {  	[sflag:s31] =	ssyncset.done $0x0  }
0x26: {  	s18 =	rddreg [dreg:$0x7];
	[sflag:s31] =	ssyncadd.s32 $0xFFFFE0C0  }
0x27: {  	[spmem:s18] =	stream.linear.scatter [tilespmem:s30], [sflag:$0x7], $0x1F40, $0x38;
	[tilespmem:$0x163A8] =	vst v63  }
0x28: {  	_ =	swait.ge [sflag:s31], $0x1F40  }
0x29: {  	[sflag:s31] =	ssyncset.done $0x0  }
0x2a: {  	s19 =	rddreg [dreg:$0x8];
	[sflag:s31] =	ssyncadd.s32 $0xFFFFE0C0  }
0x2b: {  	[tilespmem:s30], [sflag:$0x7] =	stream.linear.gather [hbm4b:s19+s5], $0x1F40, $0x38;
	[tilespmem:$0x163A8] =	vst v63  }
0x2c: {  	_ =	swait.ge [sflag:s31], $0x1F40  }
0x2d: {  	[sflag:s31] =	ssyncset.done $0x0  }
0x2e: {  	s20 =	rddreg [dreg:$0x9];
	[sflag:s31] =	ssyncadd.s32 $0xFFFFE0C0  }
0x2f: {  	[spmem:s20] =	stream.linear.scatter [tilespmem:s30], [sflag:$0x7], $0x1F40, $0x38;
	[tilespmem:$0x163A8] =	vst v63  }
0x30: {  	_ =	swait.ge [sflag:s31], $0x1F40  }
0x31: {  	[sflag:s31] =	ssyncset.done $0x0  }
0x32: {  	s21 =	rddreg [dreg:$0xa];
	[sflag:s31] =	ssyncadd.s32 $0xFFFFE0C0  }
0x33: {  	[tilespmem:s30], [sflag:$0x7] =	stream.linear.gather [hbm4b:s21+s5], $0x1F40, $0x38;
	[tilespmem:$0x163A8] =	vst v63  }
0x34: {  	_ =	swait.ge [sflag:s31], $0x1F40  }
0x35: {  	[sflag:s31] =	ssyncset.done $0x0  }
0x36: {  	s22 =	rddreg [dreg:$0xb];
	[sflag:s31] =	ssyncadd.s32 $0xFFFFE0C0  }
0x37: {  	[spmem:s22] =	stream.linear.scatter [tilespmem:s30], [sflag:$0x7], $0x1F40, $0x38;
	[tilespmem:$0x163A8] =	vst v63  }
0x38: {  	_ =	swait.ge [sflag:s31], $0x1F40  }
0x39: {  	[sflag:s31] =	ssyncset.done $0x0  }
0x3a: {  	s15 =	rddreg [dreg:$0xc];
	[sflag:s31] =	ssyncadd.s32 $0xFFFFE0C0  }
0x3b: {  	[tilespmem:s30], [sflag:$0x7] =	stream.linear.gather [hbm4b:s15+s5], $0x1F40, $0x38;
	[tilespmem:$0x163A8] =	vst v63  }
0x3c: {  	_ =	swait.ge [sflag:s31], $0x1F40  }
0x3d: {  	[sflag:s31] =	ssyncset.done $0x0  }
0x3e: {  	s16 =	rddreg [dreg:$0xd];
	[sflag:s31] =	ssyncadd.s32 $0xFFFFE0C0  }
0x3f: {  	[spmem:s16] =	stream.linear.scatter [tilespmem:s30], [sflag:$0x7], $0x1F40, $0x38;
	[tilespmem:$0x163A8] =	vst v63  }
0x40: {  	_ =	swait.ge [sflag:s31], $0x1F40  }
0x41: {  	[sflag:s31] =	ssyncset.done $0x0  }
0x42: {  	s17 =	rddreg [dreg:$0xe];
	[sflag:s31] =	ssyncadd.s32 $0xFFFFE0C0  }
0x43: {  	[tilespmem:s30], [sflag:$0x7] =	stream.linear.gather [hbm4b:s17+s5], $0x1F40, $0x38;
	[tilespmem:$0x163A8] =	vst v63  }
0x44: {  	_ =	swait.ge [sflag:s31], $0x1F40  }
0x45: {  	[sflag:s31] =	ssyncset.done $0x0  }
0x46: {  	s18 =	rddreg [dreg:$0xf];
	[sflag:s31] =	ssyncadd.s32 $0xFFFFE0C0  }
0x47: {  	[spmem:s18] =	stream.linear.scatter [tilespmem:s30], [sflag:$0x7], $0x1F40, $0x38;
	[tilespmem:$0x163A8] =	vst v63  }
0x48: {  	_ =	swait.ge [sflag:s31], $0x1F40  }
0x49: {  	[sflag:s31] =	ssyncset.done $0x0  }
0x4a: {  	s19 =	rddreg [dreg:$0x10];
	[sflag:s31] =	ssyncadd.s32 $0xFFFFE0C0  }
0x4b: {  	[tilespmem:s30], [sflag:$0x7] =	stream.linear.gather [hbm4b:s19+s5], $0x1F40, $0x38;
	[tilespmem:$0x163A8] =	vst v63  }
0x4c: {  	_ =	swait.ge [sflag:s31], $0x1F40  }
0x4d: {  	[sflag:s31] =	ssyncset.done $0x0  }
0x4e: {  	s20 =	rddreg [dreg:$0x11];
	[sflag:s31] =	ssyncadd.s32 $0xFFFFE0C0  }
0x4f: {  	[spmem:s20] =	stream.linear.scatter [tilespmem:s30], [sflag:$0x7], $0x1F40, $0x38;
	[tilespmem:$0x163A8] =	vst v63  }
0x50: {  	_ =	swait.ge [sflag:s31], $0x1F40  }
0x51: {  	[sflag:s31] =	ssyncset.done $0x0  }
0x52: {  	s21 =	rddreg [dreg:$0x12];
	[sflag:s31] =	ssyncadd.s32 $0xFFFFE0C0  }
0x53: {  	[tilespmem:s30], [sflag:$0x7] =	stream.linear.gather [hbm4b:s21+s5], $0x1F40, $0x38;
	[tilespmem:$0x163A8] =	vst v63  }
0x54: {  	_ =	swait.ge [sflag:s31], $0x1F40  }
0x55: {  	[sflag:s31] =	ssyncset.done $0x0  }
0x56: {  	s22 =	rddreg [dreg:$0x13];
	[sflag:s31] =	ssyncadd.s32 $0xFFFFE0C0  }
0x57: {  	[spmem:s22] =	stream.linear.scatter [tilespmem:s30], [sflag:$0x7], $0x1F40, $0x38;
	[tilespmem:$0x163A8] =	vst v63  }
0x58: {  	_ =	swait.ge [sflag:s31], $0x1F40  }
0x59: {  	s14 =	simm.s32 @!p0 $0x0;
	[sflag:s31] =	ssyncset.done $0x0  }
0x5a: {  	s15 =	simm.s32 @!p0 $0xF428;
	s16 =	rddreg [dreg:$0x14];
	[sflag:s31] =	ssyncadd.s32 $0xFFFFE0C0  }
0x5b: {  	[tilespmem:s15], [sflag:$0x7] =	stream.linear.gather @!p0 [hbm4b:s16+s14], $0x1F40, $0x38;
	[tilespmem:$0x163A8] =	vst v63  }
0x5c: {  	s14 =	simm.s32 @!p0 $0x7  }
0x5d: {  	_ =	swait.ge @!p0 [sflag:s14], $0x1F40  }
0x5e: {  	[sflag:s14] =	ssyncset.done @!p0 $0x0  }
0x5f: {  	s16 =	rddreg [dreg:$0x15];
	[sflag:s14] =	ssyncadd.s32 @!p0 $0xFFFFE0C0  }
0x60: {  	[spmem:s16] =	stream.linear.scatter @!p0 [tilespmem:s15], [sflag:$0x7], $0x1F40, $0x38;
	[tilespmem:$0x163A8] =	vst v63  }
0x61: {  	_ =	swait.ge @!p0 [sflag:s14], $0x1F40  }
0x62: {  	[sflag:s14] =	ssyncset.done @!p0 $0x0  }
0x63: {  	[sflag:s14] =	ssyncadd.s32 @!p0 $0xFFFFE0C0  }
0x64: {  	s14 =	simm.s32 $0x0;
	[bflag:$0x0] =	sbarrier.arrive $0xFFFF  }
.LBB2_2:
0x65: {  	s15 =	smul.u32 $0x19A, s14;
	_ =	sdelay $0x1  }
0x66: {  	_ =	swait.ge [sflag:s0], $0x1400;
	s15 =	sshrl.u32 s15, $0xA  }
0x67: {  	p1 =	seq.s32 s14, $0x0;
	[sflag:s0] =	ssyncset.done $0x0;
	s15 =	sand.u32 $0x3F, s15  }
0x68: {  	s18 =	simm.s32 @!p1 $0x5;
	[sflag:s0] =	ssyncadd.s32 $0xFFFFEC00;
	s16 =	smul.u32 $0x5, s15  }
0x69: {  	s17 =	sshll.u32 s14, $0x1;
	s19 =	simm.s32 $0x13BA8;
	_ =	swait.ge @!p1 [sflag:s18], $0x1400  }
0x6a: {  	s20 =	simm.s32 $0x113A8;
	[sflag:s18] =	ssyncset.done @!p1 $0x0;
	s16 =	ssub.s32 s17, s16  }
0x6b: {  	[sflag:s18] =	ssyncadd.s32 @!p1 $0xFFFFEC00;
	s18 =	simm.s32 $0x200;
	s16 =	sand.u32 $0xFF, s16  }
.LBB2_3:
0x6c: {  	[tilespmem:s19], [sflag:$0x3] =	stream.indirect.gather [spmem:s3], $0x1, s20, s4, $0xb8;
	[tilespmem:$0x163A8] =	vst v63  }
0x6d: {  	s19 =	smov.u32 s18;
	p2 =	sne.s32 s18, $0x4E00  }
.Ltmp0:
0x6e: {  	s18 =	sadd.s32 $0x200, s18;
	(pc) =	sbr.rel @p2 .LBB2_3-.Ltmp0, $3  }
0x6f: {  	_ =	sdelay $0x1  }
0x70: {  	s20 =	sshra.s32 s19, $0x2  }
0x71: {  	s19 =	sadd.s32 $0x13BA8, s20;
	s20 =	sadd.s32 $0x113A8, s20  }
0x72: {  	s18 =	sor.u32 $0x1, s17  }
0x73: {  	s21 =	smulhi.u32 $0x66666667, s18;
	_ =	sdelay $0x1  }
0x74: {  	s21 =	sshrl.u32 s21, $0x1  }
0x75: {  	s22 =	smul.u32 $0x5, s21  }
0x76: {  	[tilespmem:s19], [sflag:$0x3] =	stream.indirect.gather [spmem:s3], $0x1, s20, s4, $0xb8;
	[tilespmem:$0x163A8] =	vst v63  }
0x77: {  	s18 =	ssub.s32 s18, s22  }
0x78: {  	s22 =	sadd.s32 s23, s21;
	s18 =	smul.u32 $0xA0000, s18  }
0x79: {  	s19 =	sshll.u32 s22, $0xA  }
.Ltmp1:
0x7a: {  	s18 =	sadd.s32 s18, s19;
	(pc) =	sbr.rel @p1 .LBB2_5-.Ltmp1, $4  }
0x7b: {  	s18 =	sshrl.u32 s18, $0x3  }
0x7c: {  	s18 =	sadd.s32 s1, s18  }
0x7d: {  	[tilespmem:s29], [sflag:$0x2] =	stream.strided.gather [hbm4b:s18+s26], $0x1400, s28, s26, $0x38;
	[tilespmem:$0x163A8] =	vst v63  }
0x7e: {  	s18 =	simm.s32 $0x28  }
0x7f: {  	_ =	swait.ge [sflag:s8], $0x80  }
0x80: {  	s18 =	sadd.s32 $0xFFFFFFFF, s18;
	[sflag:s8] =	ssyncset.done $0x0  }
.LBB2_7:
0x81: {  	p1 =	sne.s32 s18, $0x1;
	s18 =	sadd.s32 $0xFFFFFFFF, s18;
	[sflag:s8] =	ssyncadd.s32 $0xFFFFFF80  }
.Ltmp2:
0x82: {  	(pc) =	sbr.rel @p1 .LBB2_7-.Ltmp2, $3  }
0x83: {  	_ =	sdelay $0x1  }
0x84: {  	_ =	swait.ge [sflag:s8], $0x80  }
0x85: {  	[sflag:s8] =	ssyncset.done $0x0  }
0x86: {  	s18 =	sadd.s32 $0xFFFFFFFF, s17  }
0x87: {  	s19 =	smulhi.u32 $0xCCCCCCCD, s18;
	_ =	sdelay $0x1  }
0x88: {  	s19 =	sshrl.u32 s19, $0x2  }
0x89: {  	s20 =	smul.u32 $0x5, s19;
	_ =	sdelay $0x1  }
0x8a: {  	s18 =	ssub.s32 s18, s20  }
0x8b: {  	s19 =	sadd.s32 s23, s19;
	s18 =	smul.u32 $0xA0000, s18  }
0x8c: {  	s19 =	sshll.u32 s19, $0xA  }
0x8d: {  	s18 =	sadd.s32 s18, s19  }
0x8e: {  	s18 =	sshrl.u32 s18, $0x3  }
.Ltmp3:
0x8f: {  	[sflag:s8] =	ssyncadd.s32 $0xFFFFFF80;
	s18 =	sadd.s32 s2, s18;
	(pc) =	sbr.rel .LBB2_9-.Ltmp3, $4  }
0x90: {  	[hbm4b:s18+s26] =	stream.strided.scatter [tilespmem:s9], [sflag:$0x6], $0x1400, s28, s26, $0x38;
	[tilespmem:$0x163A8] =	vst v63  }
0x91: {  	_ =	swait.ge [sflag:s12], $0x1400  }
0x92: {  	[sflag:s12] =	ssyncset.done $0x0  }
0x93: {  	s18 =	simm.s32 $0x6;
	[sflag:s12] =	ssyncadd.s32 $0xFFFFEC00  }
.LBB2_5:
0x94: {  	s18 =	simm.s32 $0x2  }
.LBB2_9:
0x95: {  	_ =	swait.ge [sflag:s18], $0x1400  }
0x96: {  	s19 =	simm.s32 $0x14FA8;
	[sflag:s18] =	ssyncset.done $0x0  }
0x97: {  	s20 =	simm.s32 $0x127A8;
	[sflag:s18] =	ssyncadd.s32 $0xFFFFEC00;
	s18 =	simm.s32 $0x200  }
.LBB2_10:
0x98: {  	[tilespmem:s19], [sflag:$0x4] =	stream.indirect.gather [spmem:s3], $0x1, s20, s4, $0xb8;
	[tilespmem:$0x163A8] =	vst v63  }
0x99: {  	s19 =	smov.u32 s18;
	p1 =	sne.s32 s18, $0x4E00  }
.Ltmp4:
0x9a: {  	s18 =	sadd.s32 $0x200, s18;
	(pc) =	sbr.rel @p1 .LBB2_10-.Ltmp4, $3  }
0x9b: {  	_ =	sdelay $0x1  }
0x9c: {  	s20 =	sshra.s32 s19, $0x2  }
0x9d: {  	s19 =	sadd.s32 $0x14FA8, s20;
	s20 =	sadd.s32 $0x127A8, s20  }
0x9e: {  	p1 =	seq.s32 s14, $0x9  }
0x9f: {  	s17 =	sadd.s32 @!p1 $0x2, s17  }
0xa0: {  	s18 =	smulhi.u32 @!p1 $0x66666667, s17;
	_ =	sdelay $0x1  }
0xa1: {  	s18 =	sshrl.u32 @!p1 s18, $0x1  }
0xa2: {  	s21 =	smul.u32 @!p1 $0x5, s18  }
0xa3: {  	[tilespmem:s19], [sflag:$0x4] =	stream.indirect.gather [spmem:s3], $0x1, s20, s4, $0xb8;
	[tilespmem:$0x163A8] =	vst v63  }
0xa4: {  	s17 =	ssub.s32 @!p1 s17, s21  }
0xa5: {  	s18 =	sadd.s32 @!p1 s23, s18;
	s17 =	smul.u32 @!p1 $0xA0000, s17  }
0xa6: {  	s18 =	sshll.u32 @!p1 s18, $0xA  }
0xa7: {  	s17 =	sadd.s32 @!p1 s17, s18  }
0xa8: {  	s19 =	simm.s32 @!p1 $0x20000;
	s17 =	sshrl.u32 @!p1 s17, $0x3  }
0xa9: {  	s20 =	simm.s32 @!p1 $0x113A8;
	s18 =	simm.s32 @!p1 $0x400;
	s17 =	sadd.s32 @!p1 s1, s17  }
0xaa: {  	[tilespmem:s20], [sflag:$0x1] =	stream.strided.gather @!p1 [hbm4b:s17+s18], $0x1400, s19, s18, $0x38;
	[tilespmem:$0x163A8] =	vst v63  }
0xab: {  	_ =	swait.ge [sflag:s6], $0x80  }
0xac: {  	s17 =	simm.s32 $0x27;
	[sflag:s6] =	ssyncset.done $0x0  }
.LBB2_12:
0xad: {  	p1 =	sne.s32 s17, $0x1;
	s17 =	sadd.s32 $0xFFFFFFFF, s17;
	[sflag:s6] =	ssyncadd.s32 $0xFFFFFF80  }
.Ltmp5:
0xae: {  	(pc) =	sbr.rel @p1 .LBB2_12-.Ltmp5, $3  }
0xaf: {  	_ =	sdelay $0x1  }
0xb0: {  	_ =	swait.ge [sflag:s6], $0x80  }
0xb1: {  	[sflag:s6] =	ssyncset.done $0x0  }
0xb2: {  	s14 =	sadd.s32 $0x1, s14  }
0xb3: {  	s16 =	smul.u32 $0xA0000, s16;
	s15 =	sadd.s32 s15, s23;
	p1 =	sne.s32 s14, $0xA  }
.Ltmp6:
0xb4: {  	s15 =	sshll.u32 s15, $0xA;
	(pc) =	sbr.rel @p1 .LBB2_2-.Ltmp6, $4  }
0xb5: {  	s15 =	sadd.s32 s16, s15  }
0xb6: {  	s15 =	sshrl.u32 s15, $0x3  }
0xb7: {  	[sflag:s6] =	ssyncadd.s32 $0xFFFFFF80;
	s15 =	sadd.s32 s2, s15  }
0xb8: {  	[hbm4b:s15+s26] =	stream.strided.scatter [tilespmem:s7], [sflag:$0x5], $0x1400, s28, s26, $0x38;
	[tilespmem:$0x163A8] =	vst v63  }
0xb9: {  	_ =	swait.ge [sflag:s8], $0x80  }
0xba: {  	s14 =	simm.s32 $0x27;
	[sflag:s8] =	ssyncset.done $0x0  }
.LBB2_15:
0xbb: {  	p1 =	sne.s32 s14, $0x1;
	s14 =	sadd.s32 $0xFFFFFFFF, s14;
	[sflag:s8] =	ssyncadd.s32 $0xFFFFFF80  }
.Ltmp7:
0xbc: {  	(pc) =	sbr.rel @p1 .LBB2_15-.Ltmp7, $3  }
0xbd: {  	_ =	sdelay $0x1  }
0xbe: {  	_ =	swait.ge [sflag:s8], $0x80  }
0xbf: {  	[sflag:s8] =	ssyncset.done $0x0  }
0xc0: {  	[sflag:s8] =	ssyncadd.s32 $0xFFFFFF80;
	s13 =	sadd.s32 $0x1, s13  }
0xc1: {  	[hbm4b:s24+s26] =	stream.strided.scatter [tilespmem:s9], [sflag:$0x6], $0x1400, s28, s26, $0x38;
	[tilespmem:$0x163A8] =	vst v63  }
0xc2: {  	p1 =	sne.s32 s13, s25;
	_ =	swait.ge [sflag:s10], $0x1400  }
.Ltmp8:
0xc3: {  	[sflag:s10] =	ssyncset.done $0x0;
	(pc) =	sbr.rel @p1 .LBB2_1-.Ltmp8, $4  }
0xc4: {  	[sflag:s10] =	ssyncadd.s32 $0xFFFFEC00  }
0xc5: {  	_ =	swait.ge [sflag:s11], $0x1400  }
0xc6: {  	[sflag:s11] =	ssyncset.done $0x0  }
0xc7: {  	[sflag:s11] =	ssyncadd.s32 $0xFFFFEC00  }
0xc8: {  	_ =	sfence.sel $0x180000  }
0xc9: {  	[bflag:$0x0] =	sbarrier.arrive $0xFFFF  }
0xca: {  	_ =	strace $0x90000047  }
0xcb: {  	s0 =	stileid.u32;
	[bflag:$0x2] =	sbarrier.arrive $0xFFFF  }
0xcc: {  	p0 =	sne.s32 s0, $0x0;
	s0 =	rddreg [dreg:$0x4]  }
0xcd: {  	s0 =	sadd.s32 @!p0 $0x100000, s0  }
0xce: {  	[sflag:s0] =	ssyncadd.tile.s32 @!p0 $0x1;
	_ =	shalt  }
.Lfunc_end2:
_tile_overlayer_lowered:
.L_overlay_start_2:
0xcf: {  	(tag) =	ssettag $0x2  }
0xd0: {  	s0 =	rddreg [dreg:$0x0];
	s2 =	stileid.u32  }
0xd1: {  	s1 =	rddreg [dreg:$0x1];
	p0 =	sne.s32 s2, $0x0  }
0xd2: {  	s3 =	rddreg [dreg:$0x2];
	[bflag:$0x3] =	sbarrier.arrive $0xFFFF;
	s2 =	simm.s32 @!p0 $0x1C07  }
0xd3: {  	[timem:s3], [sflag:s2] =	dma.local @!p0 [hbm:s0], s1  }
0xd4: {  	s0 =	simm.s32 @!p0 $0x7  }
0xd5: {  	_ =	swait.ge @!p0 [sflag:s0], s1  }
0xd6: {  	s1 =	ssub.s32 @!p0 $0x0, s1;
	[sflag:s0] =	ssyncset.done @!p0 $0x0  }
0xd7: {  	[sflag:s0] =	ssyncadd.s32 @!p0 s1  }
0xd8: {  	[bflag:$0x3] =	sbarrier.arrive $0xFFFF  }
0xd9: {  	_ =	shalt  }

</sc_bundles>
